<compile_context>
chip_gen: v7x
topology: tpu7x:2x2x1
jax: 0.10.2.dev20260603
libtpu: 0.0.44.dev20260713+nightly
codegen_flags: <defaults>
</compile_context>

<pallas_src>
import functools

import jax
import jax.numpy as jnp
from jax import lax
from jax.experimental import pallas as pl
from jax.experimental.pallas import tpu as pltpu
from jax.experimental.pallas import tpu_sc as plsc

_PS = 4
_N = 4096
_R = 8
_SUB = 32
_LANE = 128
_TOPK = _N // _PS
_B = 4


def _rank_kernel(att_ref, off_ref, rank_ref):
    att = jnp.concatenate([att_ref[...], off_ref[...]], axis=0)
    bound = jnp.full((_R, 1, 1), jnp.inf, jnp.float32)
    k = jnp.full((_R, 1, 1), float(_PS + 1), jnp.float32)
    t = jnp.zeros((_R, 1, 1), jnp.float32)
    done = jnp.zeros((_R, 1, 1), jnp.bool_)
    for _ in range(_PS + 1):
        masked = jnp.where(att < bound, att, -jnp.inf)
        m = jnp.max(jnp.max(masked, axis=2, keepdims=True), axis=1,
                    keepdims=True)
        eq = jnp.where(att == m, 1.0, 0.0)
        c = jnp.sum(jnp.sum(eq, axis=2, keepdims=True), axis=1, keepdims=True)
        newly = jnp.logical_and(jnp.logical_not(done), k <= c)
        t = jnp.where(newly, m, t)
        k = k - c
        done = jnp.logical_or(done, newly)
        bound = m
    lvl = jnp.sum(jnp.where(att >= t, 1.0, 0.0), axis=0)

    ri = lax.broadcasted_iota(jnp.int32, (_LANE, _LANE), 0)
    ci = lax.broadcasted_iota(jnp.int32, (_LANE, _LANE), 1)
    tri_incl = (ri <= ci).astype(jnp.float32)
    r32 = lax.broadcasted_iota(jnp.int32, (_SUB, _SUB), 0)
    c32 = lax.broadcasted_iota(jnp.int32, (_SUB, _SUB), 1)
    tri_strict = (r32 > c32).astype(jnp.float32)

    rank = jnp.zeros((_SUB, _LANE), jnp.float32)
    higher = jnp.float32(0.0)
    for lev in range(_R, -1, -1):
        oh = (lvl == jnp.float32(lev)).astype(jnp.float32)
        incl = jnp.dot(oh, tri_incl, preferred_element_type=jnp.float32)
        above = jnp.dot(tri_strict, oh, preferred_element_type=jnp.float32)
        rowpref = jnp.sum(above, axis=1, keepdims=True)
        prefix_excl = incl - oh + rowpref
        rank = rank + oh * (higher + prefix_excl)
        higher = higher + jnp.sum(oh)
    rank_ref[...] = rank.astype(jnp.int32)


_rank_call = pl.pallas_call(
    _rank_kernel,
    out_shape=jax.ShapeDtypeStruct((_SUB, _LANE), jnp.int32),
)

_NC = 2
_NS = 16
_NW = _NC * _NS
_ROWS_PER_W = (_B * _TOPK) // _NW
_CHUNK = 16
_NBUF = 6
_NCHUNK = _ROWS_PER_W // _CHUNK
_WPB = _TOPK // _ROWS_PER_W


def _sc_gather_kernel(rank_hbm, x_hbm, topm_hbm, xg_hbm,
                      rank_sh, rank_v, perm_v,
                      idx_v0, idx_v1, idx_v2, idx_v3, idx_v4, idx_v5,
                      rows_v0, rows_v1, rows_v2, rows_v3, rows_v4, rows_v5,
                      gsem0, gsem1, gsem2, gsem3, gsem4, gsem5,
                      wsem0, wsem1, wsem2, wsem3, wsem4, wsem5):
    wid = lax.axis_index("s") * _NC + lax.axis_index("c")

    @pl.when(lax.axis_index("s") == 0)
    def _():
        pltpu.sync_copy(rank_hbm, rank_sh)

    plsc.subcore_barrier()
    pltpu.sync_copy(rank_sh, rank_v)

    ids0 = lax.iota(jnp.int32, 16)

    def body(i, carry):
        for u in range(4):
            base = i * 64 + u * 16
            rk = rank_v[pl.ds(base, 16)]
            plsc.store_scatter(perm_v, [rk], ids0 + base)
        return carry

    lax.fori_loop(0, _N // 64, body, 0)

    @pl.when(wid == 0)
    def _():
        pltpu.sync_copy(perm_v.at[pl.ds(0, _TOPK)], topm_hbm)

    b = wid // _WPB
    boff = b * _N
    r0 = (wid % _WPB) * _ROWS_PER_W
    bufs = ((idx_v0, rows_v0, gsem0, wsem0),
            (idx_v1, rows_v1, gsem1, wsem1),
            (idx_v2, rows_v2, gsem2, wsem2),
            (idx_v3, rows_v3, gsem3, wsem3),
            (idx_v4, rows_v4, gsem4, wsem4),
            (idx_v5, rows_v5, gsem5, wsem5))

    def start_gather(buf, chunk):
        idx_v, rows_v, gsem, _ = bufs[buf]
        roff = r0 + chunk * _CHUNK
        for j in range(_CHUNK // 16):
            idx_v[pl.ds(j * 16, 16)] = perm_v[pl.ds(roff + j * 16, 16)] + boff
        return pltpu.async_copy(x_hbm.at[idx_v], rows_v, gsem)

    g = [start_gather(buf, buf) for buf in range(_NBUF)]
    w = [None] * _NBUF
    for c in range(_NCHUNK):
        buf = c % _NBUF
        rows_v, wsem = bufs[buf][1], bufs[buf][3]
        g[buf].wait()
        out_off = wid * _ROWS_PER_W + c * _CHUNK
        w[buf] = pltpu.async_copy(rows_v, xg_hbm.at[pl.ds(out_off, _CHUNK)], wsem)
        if c + _NBUF < _NCHUNK:
            w[buf].wait()
            g[buf] = start_gather(buf, c + _NBUF)
    for buf in range(_NBUF):
        w[buf].wait()


@functools.lru_cache(maxsize=1)
def _make_sc_call():
    return functools.partial(
        pl.kernel,
        out_type=(
            jax.ShapeDtypeStruct((_TOPK,), jnp.int32),
            jax.ShapeDtypeStruct((_B * _TOPK, 1024), jnp.float32),
        ),
        mesh=plsc.VectorSubcoreMesh(core_axis_name="c", subcore_axis_name="s"),
        compiler_params=pltpu.CompilerParams(needs_layout_passes=False),
        scratch_types=[
            pltpu.VMEM_SHARED((_N,), jnp.int32),
            pltpu.VMEM((_N,), jnp.int32),
            pltpu.VMEM((_N,), jnp.int32),
        ] + [pltpu.VMEM((_CHUNK,), jnp.int32)] * _NBUF
          + [pltpu.VMEM((_CHUNK, 1024), jnp.float32)] * _NBUF
          + [pltpu.SemaphoreType.DMA] * (2 * _NBUF),
    )(_sc_gather_kernel)


def kernel(x, attention, att_off):
    att = attention.reshape(_B, _SUB, _LANE)
    off = att_off.reshape(_B, _SUB, _LANE)
    rank = _rank_call(att, off).reshape(_N)
    top_m, xg = _make_sc_call()(rank, x.reshape(_B * _N, 1024))
    return xg.reshape(_B, _TOPK, 1024), top_m

# --- scband reference (transcript-rebuilt; emitter-appended) ---
"""Pipeline reference for scband-fs-att-pool-45681272160560 (READ-ONLY COPY).

The authoritative reference and input builder live on the scoring server;
editing this copy changes nothing except your own understanding.
"""

import jax, jax.numpy as jnp
import numpy as np

PS = 4
W1 = 0.5
W2 = 0.5


def setup_inputs(seed: int = 0) -> dict:
    key = jax.random.key(seed)
    k1, k2, k3 = jax.random.split(key, 3)
    x = jax.random.normal(k1, (4, 4096, 1024), dtype=jnp.float32)
    attention = jax.random.normal(k2, (4, 4096), dtype=jnp.float32)
    att_off = jax.random.normal(k3, (4, 4096), dtype=jnp.float32)
    return {"x": x, "attention": attention, "att_off": att_off}


def _getM(att, ps):
    # torch.flatten(att, start_dim=1)
    attention = att.reshape(att.shape[0], -1)
    # torch.sort(..., descending=True)
    values = -jnp.sort(-attention, axis=1)
    threshold = values[:, ps][:, None]
    mask = attention >= threshold
    m = jnp.ones_like(attention) * mask
    M = jnp.sum(m, axis=0)
    return M


def reference(x, attention, att_off):
    M = _getM(attention, PS)
    M_off = _getM(att_off, PS)
    M = W1 * M + W2 * M_off
    # torch.sort(M, descending=True) -> indices
    indices = jnp.argsort(-M)
    top_m = indices[: M.shape[0] // PS]
    return x[:, top_m], top_m

if __name__ == "__main__":
    import jax
    _d = setup_inputs()
    print(jax.jit(kernel)(*tuple(_d.values())))

</pallas_src>

<mosaic_0001>
#map = affine_map<(d0, d1) -> (0)>
#map1 = affine_map<(d0, d1) -> (0, 0)>
module attributes {stable_mosaic.version = 14 : i64} {
  func.func @_sc_gather_kernel(%arg0: i32, %arg1: i32, %arg2: memref<4096xi32, #tpu.memory_space<hbm>>, %arg3: memref<16384x1024xf32, #tpu.memory_space<hbm>>, %arg4: memref<1024xi32, #tpu.memory_space<hbm>>, %arg5: memref<4096x1024xf32, #tpu.memory_space<hbm>>, %arg6: memref<4096xi32, #tpu.memory_space<vmem_shared>>, %arg7: memref<4096xi32, #tpu.memory_space<vmem>>, %arg8: memref<4096xi32, #tpu.memory_space<vmem>>, %arg9: memref<16xi32, #tpu.memory_space<vmem>>, %arg10: memref<16xi32, #tpu.memory_space<vmem>>, %arg11: memref<16xi32, #tpu.memory_space<vmem>>, %arg12: memref<16xi32, #tpu.memory_space<vmem>>, %arg13: memref<16xi32, #tpu.memory_space<vmem>>, %arg14: memref<16xi32, #tpu.memory_space<vmem>>, %arg15: memref<16x1024xf32, #tpu.memory_space<vmem>>, %arg16: memref<16x1024xf32, #tpu.memory_space<vmem>>, %arg17: memref<16x1024xf32, #tpu.memory_space<vmem>>, %arg18: memref<16x1024xf32, #tpu.memory_space<vmem>>, %arg19: memref<16x1024xf32, #tpu.memory_space<vmem>>, %arg20: memref<16x1024xf32, #tpu.memory_space<vmem>>, %arg21: memref<!tpu.dma_semaphore, #tpu.memory_space<semaphore_mem>>, %arg22: memref<!tpu.dma_semaphore, #tpu.memory_space<semaphore_mem>>, %arg23: memref<!tpu.dma_semaphore, #tpu.memory_space<semaphore_mem>>, %arg24: memref<!tpu.dma_semaphore, #tpu.memory_space<semaphore_mem>>, %arg25: memref<!tpu.dma_semaphore, #tpu.memory_space<semaphore_mem>>, %arg26: memref<!tpu.dma_semaphore, #tpu.memory_space<semaphore_mem>>, %arg27: memref<!tpu.dma_semaphore, #tpu.memory_space<semaphore_mem>>, %arg28: memref<!tpu.dma_semaphore, #tpu.memory_space<semaphore_mem>>, %arg29: memref<!tpu.dma_semaphore, #tpu.memory_space<semaphore_mem>>, %arg30: memref<!tpu.dma_semaphore, #tpu.memory_space<semaphore_mem>>, %arg31: memref<!tpu.dma_semaphore, #tpu.memory_space<semaphore_mem>>, %arg32: memref<!tpu.dma_semaphore, #tpu.memory_space<semaphore_mem>>) attributes {dimension_semantics = [#tpu.dimension_semantics<core_parallel>, #tpu.dimension_semantics<subcore_parallel>], iteration_bounds = array<i64: 2, 16>, scalar_prefetch = 0 : i64, scratch_operands = 27 : i64, tpu.core_type = #tpu.core_type<sc_vector_subcore>, window_params = [{transform_indices = #map}, {transform_indices = #map1}, {transform_indices = #map}, {transform_indices = #map1}]} {
    %mul3A = arith.constant 2 : i32
    %mul3A_0 = arith.muli %arg1, %mul3A : i32
    %add3A = arith.addi %mul3A_0, %arg0 : i32
    %eq3A = arith.constant 0 : i32
    %eq3A_1 = arith.cmpi eq, %arg1, %eq3A : i32
    %convert_element_type3A = arith.extui %eq3A_1 : i1 to i32
    %cond3A = arith.constant 0 : i32
    %cond3A_2 = arith.cmpi ne, %convert_element_type3A, %cond3A : i32
    scf.if %cond3A_2 {
      "tpu.region"() ({
        %run_scoped3A = tpu.sem_alloc : memref<!tpu.dma_semaphore, #tpu.memory_space<semaphore_mem>>
        tpu.enqueue_dma source(%arg2 : memref<4096xi32, #tpu.memory_space<hbm>>) target(%arg6 : memref<4096xi32, #tpu.memory_space<vmem_shared>>) target_semaphore(%run_scoped3A : memref<!tpu.dma_semaphore, #tpu.memory_space<semaphore_mem>>)
        tpu.wait_dma2 semaphore(%run_scoped3A : memref<!tpu.dma_semaphore, #tpu.memory_space<semaphore_mem>>) src(%arg2 : memref<4096xi32, #tpu.memory_space<hbm>>) dst(%arg6 : memref<4096xi32, #tpu.memory_space<vmem_shared>>)
        tpu.yield
      }) : () -> ()
    } else {
    }
    %barrier3A = arith.constant 0 : index
    tpu.barrier barrier_id(%barrier3A)
    "tpu.region"() ({
      %run_scoped3A = tpu.sem_alloc : memref<!tpu.dma_semaphore, #tpu.memory_space<semaphore_mem>>
      tpu.enqueue_dma source(%arg6 : memref<4096xi32, #tpu.memory_space<vmem_shared>>) target(%arg7 : memref<4096xi32, #tpu.memory_space<vmem>>) target_semaphore(%run_scoped3A : memref<!tpu.dma_semaphore, #tpu.memory_space<semaphore_mem>>)
      tpu.wait_dma2 semaphore(%run_scoped3A : memref<!tpu.dma_semaphore, #tpu.memory_space<semaphore_mem>>) src(%arg6 : memref<4096xi32, #tpu.memory_space<vmem_shared>>) dst(%arg7 : memref<4096xi32, #tpu.memory_space<vmem>>)
      tpu.yield
    }) : () -> ()
    %iota3A = tpu.iota {dimensions = array<i32: 0>} : vector<16xi32>
    %scan3A = arith.constant 0 : i32
    %scan3A_3 = arith.constant 0 : i32
    %scan3A_4 = arith.constant 64 : i32
    %scan3A_5 = arith.addi %scan3A_3, %scan3A_4 : i32
    %scan3A_6 = arith.constant 1 : i32
    scf.for %scan3A_268 = %scan3A_3 to %scan3A_5 step %scan3A_6  : i32 {
      %mul3A_269 = arith.constant 64 : i32
      %mul3A_270 = arith.muli %scan3A_268, %mul3A_269 : i32
      %add3A_271 = arith.constant 0 : i32
      %add3A_272 = arith.addi %mul3A_270, %add3A_271 : i32
      %get3A_273 = arith.index_cast %add3A_272 : i32 to index
      %get3A_274 = tpu.vector_load %arg7[%get3A_273] {strides = array<i32>} : memref<4096xi32, #tpu.memory_space<vmem>>, vector<16xi32>,
      %add3A_275 = vector.broadcast %add3A_272 : i32 to vector<16xi32>
      %add3A_276 = arith.addi %iota3A, %add3A_275 : vector<16xi32>
      tpu.vector_store_idx %arg8[%get3A_274], %add3A_276 : memref<4096xi32, #tpu.memory_space<vmem>>[vector<16xi32>], vector<16xi32>,
      %mul3A_277 = arith.constant 64 : i32
      %mul3A_278 = arith.muli %scan3A_268, %mul3A_277 : i32
      %add3A_279 = arith.constant 16 : i32
      %add3A_280 = arith.addi %mul3A_278, %add3A_279 : i32
      %get3A_281 = arith.index_cast %add3A_280 : i32 to index
      %get3A_282 = tpu.vector_load %arg7[%get3A_281] {strides = array<i32>} : memref<4096xi32, #tpu.memory_space<vmem>>, vector<16xi32>,
      %add3A_283 = vector.broadcast %add3A_280 : i32 to vector<16xi32>
      %add3A_284 = arith.addi %iota3A, %add3A_283 : vector<16xi32>
      tpu.vector_store_idx %arg8[%get3A_282], %add3A_284 : memref<4096xi32, #tpu.memory_space<vmem>>[vector<16xi32>], vector<16xi32>,
      %mul3A_285 = arith.constant 64 : i32
      %mul3A_286 = arith.muli %scan3A_268, %mul3A_285 : i32
      %add3A_287 = arith.constant 32 : i32
      %add3A_288 = arith.addi %mul3A_286, %add3A_287 : i32
      %get3A_289 = arith.index_cast %add3A_288 : i32 to index
      %get3A_290 = tpu.vector_load %arg7[%get3A_289] {strides = array<i32>} : memref<4096xi32, #tpu.memory_space<vmem>>, vector<16xi32>,
      %add3A_291 = vector.broadcast %add3A_288 : i32 to vector<16xi32>
      %add3A_292 = arith.addi %iota3A, %add3A_291 : vector<16xi32>
      tpu.vector_store_idx %arg8[%get3A_290], %add3A_292 : memref<4096xi32, #tpu.memory_space<vmem>>[vector<16xi32>], vector<16xi32>,
      %mul3A_293 = arith.constant 64 : i32
      %mul3A_294 = arith.muli %scan3A_268, %mul3A_293 : i32
      %add3A_295 = arith.constant 48 : i32
      %add3A_296 = arith.addi %mul3A_294, %add3A_295 : i32
      %get3A_297 = arith.index_cast %add3A_296 : i32 to index
      %get3A_298 = tpu.vector_load %arg7[%get3A_297] {strides = array<i32>} : memref<4096xi32, #tpu.memory_space<vmem>>, vector<16xi32>,
      %add3A_299 = vector.broadcast %add3A_296 : i32 to vector<16xi32>
      %add3A_300 = arith.addi %iota3A, %add3A_299 : vector<16xi32>
      tpu.vector_store_idx %arg8[%get3A_298], %add3A_300 : memref<4096xi32, #tpu.memory_space<vmem>>[vector<16xi32>], vector<16xi32>,
    }
    %scan3A_7 = arith.constant 64 : i32
    %eq3A_8 = arith.constant 0 : i32
    %eq3A_9 = arith.cmpi eq, %add3A, %eq3A_8 : i32
    %convert_element_type3A_10 = arith.extui %eq3A_9 : i1 to i32
    %cond3A_11 = arith.constant 0 : i32
    %cond3A_12 = arith.cmpi ne, %convert_element_type3A_10, %cond3A_11 : i32
    scf.if %cond3A_12 {
      "tpu.region"() ({
        %run_scoped3A = tpu.sem_alloc : memref<!tpu.dma_semaphore, #tpu.memory_space<semaphore_mem>>
        %dma_start3A_268 = arith.constant 0 : i32
        %dma_start3A_269 = tpu.memref_slice %arg8[%dma_start3A_268] : memref<4096xi32, #tpu.memory_space<vmem>> -> memref<1024xi32, #tpu.memory_space<vmem>>
        %dma_start3A_270 = arith.constant 0 : i32
        %dma_start3A_271 = tpu.memref_slice %arg8[%dma_start3A_270] : memref<4096xi32, #tpu.memory_space<vmem>> -> memref<1024xi32, #tpu.memory_space<vmem>>
        tpu.enqueue_dma source(%dma_start3A_271 : memref<1024xi32, #tpu.memory_space<vmem>>) target(%arg4 : memref<1024xi32, #tpu.memory_space<hbm>>) target_semaphore(%run_scoped3A : memref<!tpu.dma_semaphore, #tpu.memory_space<semaphore_mem>>)
        %dma_wait3A_272 = arith.constant 0 : i32
        %dma_wait3A_273 = tpu.memref_slice %arg8[%dma_wait3A_272] : memref<4096xi32, #tpu.memory_space<vmem>> -> memref<1024xi32, #tpu.memory_space<vmem>>
        %dma_wait3A_274 = arith.constant 0 : i32
        %dma_wait3A_275 = tpu.memref_slice %arg8[%dma_wait3A_274] : memref<4096xi32, #tpu.memory_space<vmem>> -> memref<1024xi32, #tpu.memory_space<vmem>>
        tpu.wait_dma2 semaphore(%run_scoped3A : memref<!tpu.dma_semaphore, #tpu.memory_space<semaphore_mem>>) src(%dma_wait3A_275 : memref<1024xi32, #tpu.memory_space<vmem>>) dst(%arg4 : memref<1024xi32, #tpu.memory_space<hbm>>)
        tpu.yield
      }) : () -> ()
    } else {
    }
    %jit3A = arith.constant 8 : i32
    %div3A = arith.divsi %add3A, %jit3A : i32
    %sign3A = arith.constant 0 : i32
    %sign3A_13 = arith.cmpi sgt, %add3A, %sign3A : i32
    %sign3A_14 = arith.extui %sign3A_13 : i1 to i32
    %sign3A_15 = arith.constant 0 : i32
    %sign3A_16 = arith.cmpi slt, %add3A, %sign3A_15 : i32
    %sign3A_17 = arith.extui %sign3A_16 : i1 to i32
    %sign3A_18 = arith.subi %sign3A_14, %sign3A_17 : i32
    %sign3A_19 = arith.constant 0 : i32
    %sign3A_20 = arith.cmpi sgt, %jit3A, %sign3A_19 : i32
    %sign3A_21 = arith.extui %sign3A_20 : i1 to i32
    %sign3A_22 = arith.constant 0 : i32
    %sign3A_23 = arith.cmpi slt, %jit3A, %sign3A_22 : i32
    %sign3A_24 = arith.extui %sign3A_23 : i1 to i32
    %sign3A_25 = arith.subi %sign3A_21, %sign3A_24 : i32
    %ne3A = arith.cmpi ne, %sign3A_18, %sign3A_25 : i32
    %rem3A = arith.remsi %add3A, %jit3A : i32
    %ne3A_26 = arith.constant 0 : i32
    %ne3A_27 = arith.cmpi ne, %rem3A, %ne3A_26 : i32
    %and3A = arith.andi %ne3A, %ne3A_27 : i1
    %sub3A = arith.constant 1 : i32
    %sub3A_28 = arith.subi %div3A, %sub3A : i32
    %select_n3A = arith.select %and3A, %sub3A_28, %div3A : i32
    %mul3A_29 = arith.constant 4096 : i32
    %mul3A_30 = arith.muli %select_n3A, %mul3A_29 : i32
    %jit3A_31 = arith.constant 8 : i32
    %eq3A_32 = arith.constant 0 : i32
    %eq3A_33 = arith.cmpi eq, %jit3A_31, %eq3A_32 : i32
    %jit3A_34 = arith.constant 1 : i32
    %select_n3A_35 = arith.select %eq3A_33, %jit3A_34, %jit3A_31 : i32
    %rem3A_36 = arith.remsi %add3A, %select_n3A_35 : i32
    %ne3A_37 = arith.constant 0 : i32
    %ne3A_38 = arith.cmpi ne, %rem3A_36, %ne3A_37 : i32
    %lt3A = arith.constant 0 : i32
    %lt3A_39 = arith.cmpi slt, %rem3A_36, %lt3A : i32
    %lt3A_40 = arith.constant 0 : i32
    %lt3A_41 = arith.cmpi slt, %select_n3A_35, %lt3A_40 : i32
    %ne3A_42 = arith.xori %lt3A_39, %lt3A_41 : i1
    %and3A_43 = arith.andi %ne3A_42, %ne3A_38 : i1
    %add3A_44 = arith.addi %rem3A_36, %select_n3A_35 : i32
    %select_n3A_45 = arith.select %and3A_43, %add3A_44, %rem3A_36 : i32
    %mul3A_46 = arith.constant 128 : i32
    %mul3A_47 = arith.muli %select_n3A_45, %mul3A_46 : i32
    %add3A_48 = arith.constant 0 : i32
    %add3A_49 = arith.addi %mul3A_47, %add3A_48 : i32
    %add3A_50 = arith.constant 0 : i32
    %add3A_51 = arith.addi %add3A_49, %add3A_50 : i32
    %get3A = arith.index_cast %add3A_51 : i32 to index
    %get3A_52 = tpu.vector_load %arg8[%get3A] {strides = array<i32>} : memref<4096xi32, #tpu.memory_space<vmem>>, vector<16xi32>,
    %add3A_53 = vector.broadcast %mul3A_30 : i32 to vector<16xi32>
    %add3A_54 = arith.addi %get3A_52, %add3A_53 : vector<16xi32>
    %swap3A = arith.constant 0 : index
    %swap3A_55 = tpu.vector_load %arg9[%swap3A] {strides = array<i32>} : memref<16xi32, #tpu.memory_space<vmem>>, vector<16xi32>,
    tpu.vector_store %arg9[%swap3A], %add3A_54 {strides = array<i32>} : memref<16xi32, #tpu.memory_space<vmem>>, vector<16xi32>,
    %dma_start3A = arith.constant 0 : i32
    %dma_start3A_56 = arith.constant 0 : i32
    %dma_start3A_57 = tpu.memref_slice %arg3[%dma_start3A, %dma_start3A_56] : memref<16384x1024xf32, #tpu.memory_space<hbm>> -> memref<16384x1024xf32, #tpu.memory_space<hbm>>
    tpu.enqueue_indirect_dma source(%dma_start3A_57 : memref<16384x1024xf32, #tpu.memory_space<hbm>>) target(%arg15 : memref<16x1024xf32, #tpu.memory_space<vmem>>) offsets(%arg9 : memref<16xi32, #tpu.memory_space<vmem>>) semaphore(%arg21 : memref<!tpu.dma_semaphore, #tpu.memory_space<semaphore_mem>>)
    %add3A_58 = arith.constant 16 : i32
    %add3A_59 = arith.addi %mul3A_47, %add3A_58 : i32
    %add3A_60 = arith.constant 0 : i32
    %add3A_61 = arith.addi %add3A_59, %add3A_60 : i32
    %get3A_62 = arith.index_cast %add3A_61 : i32 to index
    %get3A_63 = tpu.vector_load %arg8[%get3A_62] {strides = array<i32>} : memref<4096xi32, #tpu.memory_space<vmem>>, vector<16xi32>,
    %add3A_64 = vector.broadcast %mul3A_30 : i32 to vector<16xi32>
    %add3A_65 = arith.addi %get3A_63, %add3A_64 : vector<16xi32>
    %swap3A_66 = arith.constant 0 : index
    %swap3A_67 = tpu.vector_load %arg10[%swap3A_66] {strides = array<i32>} : memref<16xi32, #tpu.memory_space<vmem>>, vector<16xi32>,
    tpu.vector_store %arg10[%swap3A_66], %add3A_65 {strides = array<i32>} : memref<16xi32, #tpu.memory_space<vmem>>, vector<16xi32>,
    %dma_start3A_68 = arith.constant 0 : i32
    %dma_start3A_69 = arith.constant 0 : i32
    %dma_start3A_70 = tpu.memref_slice %arg3[%dma_start3A_68, %dma_start3A_69] : memref<16384x1024xf32, #tpu.memory_space<hbm>> -> memref<16384x1024xf32, #tpu.memory_space<hbm>>
    tpu.enqueue_indirect_dma source(%dma_start3A_70 : memref<16384x1024xf32, #tpu.memory_space<hbm>>) target(%arg16 : memref<16x1024xf32, #tpu.memory_space<vmem>>) offsets(%arg10 : memref<16xi32, #tpu.memory_space<vmem>>) semaphore(%arg22 : memref<!tpu.dma_semaphore, #tpu.memory_space<semaphore_mem>>)
    %add3A_71 = arith.constant 32 : i32
    %add3A_72 = arith.addi %mul3A_47, %add3A_71 : i32
    %add3A_73 = arith.constant 0 : i32
    %add3A_74 = arith.addi %add3A_72, %add3A_73 : i32
    %get3A_75 = arith.index_cast %add3A_74 : i32 to index
    %get3A_76 = tpu.vector_load %arg8[%get3A_75] {strides = array<i32>} : memref<4096xi32, #tpu.memory_space<vmem>>, vector<16xi32>,
    %add3A_77 = vector.broadcast %mul3A_30 : i32 to vector<16xi32>
    %add3A_78 = arith.addi %get3A_76, %add3A_77 : vector<16xi32>
    %swap3A_79 = arith.constant 0 : index
    %swap3A_80 = tpu.vector_load %arg11[%swap3A_79] {strides = array<i32>} : memref<16xi32, #tpu.memory_space<vmem>>, vector<16xi32>,
    tpu.vector_store %arg11[%swap3A_79], %add3A_78 {strides = array<i32>} : memref<16xi32, #tpu.memory_space<vmem>>, vector<16xi32>,
    %dma_start3A_81 = arith.constant 0 : i32
    %dma_start3A_82 = arith.constant 0 : i32
    %dma_start3A_83 = tpu.memref_slice %arg3[%dma_start3A_81, %dma_start3A_82] : memref<16384x1024xf32, #tpu.memory_space<hbm>> -> memref<16384x1024xf32, #tpu.memory_space<hbm>>
    tpu.enqueue_indirect_dma source(%dma_start3A_83 : memref<16384x1024xf32, #tpu.memory_space<hbm>>) target(%arg17 : memref<16x1024xf32, #tpu.memory_space<vmem>>) offsets(%arg11 : memref<16xi32, #tpu.memory_space<vmem>>) semaphore(%arg23 : memref<!tpu.dma_semaphore, #tpu.memory_space<semaphore_mem>>)
    %add3A_84 = arith.constant 48 : i32
    %add3A_85 = arith.addi %mul3A_47, %add3A_84 : i32
    %add3A_86 = arith.constant 0 : i32
    %add3A_87 = arith.addi %add3A_85, %add3A_86 : i32
    %get3A_88 = arith.index_cast %add3A_87 : i32 to index
    %get3A_89 = tpu.vector_load %arg8[%get3A_88] {strides = array<i32>} : memref<4096xi32, #tpu.memory_space<vmem>>, vector<16xi32>,
    %add3A_90 = vector.broadcast %mul3A_30 : i32 to vector<16xi32>
    %add3A_91 = arith.addi %get3A_89, %add3A_90 : vector<16xi32>
    %swap3A_92 = arith.constant 0 : index
    %swap3A_93 = tpu.vector_load %arg12[%swap3A_92] {strides = array<i32>} : memref<16xi32, #tpu.memory_space<vmem>>, vector<16xi32>,
    tpu.vector_store %arg12[%swap3A_92], %add3A_91 {strides = array<i32>} : memref<16xi32, #tpu.memory_space<vmem>>, vector<16xi32>,
    %dma_start3A_94 = arith.constant 0 : i32
    %dma_start3A_95 = arith.constant 0 : i32
    %dma_start3A_96 = tpu.memref_slice %arg3[%dma_start3A_94, %dma_start3A_95] : memref<16384x1024xf32, #tpu.memory_space<hbm>> -> memref<16384x1024xf32, #tpu.memory_space<hbm>>
    tpu.enqueue_indirect_dma source(%dma_start3A_96 : memref<16384x1024xf32, #tpu.memory_space<hbm>>) target(%arg18 : memref<16x1024xf32, #tpu.memory_space<vmem>>) offsets(%arg12 : memref<16xi32, #tpu.memory_space<vmem>>) semaphore(%arg24 : memref<!tpu.dma_semaphore, #tpu.memory_space<semaphore_mem>>)
    %add3A_97 = arith.constant 64 : i32
    %add3A_98 = arith.addi %mul3A_47, %add3A_97 : i32
    %add3A_99 = arith.constant 0 : i32
    %add3A_100 = arith.addi %add3A_98, %add3A_99 : i32
    %get3A_101 = arith.index_cast %add3A_100 : i32 to index
    %get3A_102 = tpu.vector_load %arg8[%get3A_101] {strides = array<i32>} : memref<4096xi32, #tpu.memory_space<vmem>>, vector<16xi32>,
    %add3A_103 = vector.broadcast %mul3A_30 : i32 to vector<16xi32>
    %add3A_104 = arith.addi %get3A_102, %add3A_103 : vector<16xi32>
    %swap3A_105 = arith.constant 0 : index
    %swap3A_106 = tpu.vector_load %arg13[%swap3A_105] {strides = array<i32>} : memref<16xi32, #tpu.memory_space<vmem>>, vector<16xi32>,
    tpu.vector_store %arg13[%swap3A_105], %add3A_104 {strides = array<i32>} : memref<16xi32, #tpu.memory_space<vmem>>, vector<16xi32>,
    %dma_start3A_107 = arith.constant 0 : i32
    %dma_start3A_108 = arith.constant 0 : i32
    %dma_start3A_109 = tpu.memref_slice %arg3[%dma_start3A_107, %dma_start3A_108] : memref<16384x1024xf32, #tpu.memory_space<hbm>> -> memref<16384x1024xf32, #tpu.memory_space<hbm>>
    tpu.enqueue_indirect_dma source(%dma_start3A_109 : memref<16384x1024xf32, #tpu.memory_space<hbm>>) target(%arg19 : memref<16x1024xf32, #tpu.memory_space<vmem>>) offsets(%arg13 : memref<16xi32, #tpu.memory_space<vmem>>) semaphore(%arg25 : memref<!tpu.dma_semaphore, #tpu.memory_space<semaphore_mem>>)
    %add3A_110 = arith.constant 80 : i32
    %add3A_111 = arith.addi %mul3A_47, %add3A_110 : i32
    %add3A_112 = arith.constant 0 : i32
    %add3A_113 = arith.addi %add3A_111, %add3A_112 : i32
    %get3A_114 = arith.index_cast %add3A_113 : i32 to index
    %get3A_115 = tpu.vector_load %arg8[%get3A_114] {strides = array<i32>} : memref<4096xi32, #tpu.memory_space<vmem>>, vector<16xi32>,
    %add3A_116 = vector.broadcast %mul3A_30 : i32 to vector<16xi32>
    %add3A_117 = arith.addi %get3A_115, %add3A_116 : vector<16xi32>
    %swap3A_118 = arith.constant 0 : index
    %swap3A_119 = tpu.vector_load %arg14[%swap3A_118] {strides = array<i32>} : memref<16xi32, #tpu.memory_space<vmem>>, vector<16xi32>,
    tpu.vector_store %arg14[%swap3A_118], %add3A_117 {strides = array<i32>} : memref<16xi32, #tpu.memory_space<vmem>>, vector<16xi32>,
    %dma_start3A_120 = arith.constant 0 : i32
    %dma_start3A_121 = arith.constant 0 : i32
    %dma_start3A_122 = tpu.memref_slice %arg3[%dma_start3A_120, %dma_start3A_121] : memref<16384x1024xf32, #tpu.memory_space<hbm>> -> memref<16384x1024xf32, #tpu.memory_space<hbm>>
    tpu.enqueue_indirect_dma source(%dma_start3A_122 : memref<16384x1024xf32, #tpu.memory_space<hbm>>) target(%arg20 : memref<16x1024xf32, #tpu.memory_space<vmem>>) offsets(%arg14 : memref<16xi32, #tpu.memory_space<vmem>>) semaphore(%arg26 : memref<!tpu.dma_semaphore, #tpu.memory_space<semaphore_mem>>)
    %dma_wait3A = arith.constant 0 : i32
    %dma_wait3A_123 = arith.constant 0 : i32
    %dma_wait3A_124 = tpu.memref_slice %arg3[%dma_wait3A, %dma_wait3A_123] : memref<16384x1024xf32, #tpu.memory_space<hbm>> -> memref<16384x1024xf32, #tpu.memory_space<hbm>>
    tpu.wait_indirect_dma semaphore(%arg21 : memref<!tpu.dma_semaphore, #tpu.memory_space<semaphore_mem>>) src(%dma_wait3A_124 : memref<16384x1024xf32, #tpu.memory_space<hbm>>) dst(%arg15 : memref<16x1024xf32, #tpu.memory_space<vmem>>)
    %mul3A_125 = arith.constant 128 : i32
    %mul3A_126 = arith.muli %add3A, %mul3A_125 : i32
    %add3A_127 = arith.constant 0 : i32
    %add3A_128 = arith.addi %mul3A_126, %add3A_127 : i32
    %dma_start3A_129 = arith.constant 0 : i32
    %dma_start3A_130 = tpu.memref_slice %arg5[%add3A_128, %dma_start3A_129] : memref<4096x1024xf32, #tpu.memory_space<hbm>> -> memref<16x1024xf32, #tpu.memory_space<hbm>>
    %dma_start3A_131 = arith.constant 0 : i32
    %dma_start3A_132 = tpu.memref_slice %arg5[%add3A_128, %dma_start3A_131] : memref<4096x1024xf32, #tpu.memory_space<hbm>> -> memref<16x1024xf32, #tpu.memory_space<hbm>>
    tpu.enqueue_dma source(%arg15 : memref<16x1024xf32, #tpu.memory_space<vmem>>) target(%dma_start3A_132 : memref<16x1024xf32, #tpu.memory_space<hbm>>) target_semaphore(%arg27 : memref<!tpu.dma_semaphore, #tpu.memory_space<semaphore_mem>>)
    %dma_wait3A_133 = arith.constant 0 : i32
    %dma_wait3A_134 = tpu.memref_slice %arg5[%add3A_128, %dma_wait3A_133] : memref<4096x1024xf32, #tpu.memory_space<hbm>> -> memref<16x1024xf32, #tpu.memory_space<hbm>>
    %dma_wait3A_135 = arith.constant 0 : i32
    %dma_wait3A_136 = tpu.memref_slice %arg5[%add3A_128, %dma_wait3A_135] : memref<4096x1024xf32, #tpu.memory_space<hbm>> -> memref<16x1024xf32, #tpu.memory_space<hbm>>
    tpu.wait_dma2 semaphore(%arg27 : memref<!tpu.dma_semaphore, #tpu.memory_space<semaphore_mem>>) src(%arg15 : memref<16x1024xf32, #tpu.memory_space<vmem>>) dst(%dma_wait3A_136 : memref<16x1024xf32, #tpu.memory_space<hbm>>)
    %add3A_137 = arith.constant 96 : i32
    %add3A_138 = arith.addi %mul3A_47, %add3A_137 : i32
    %add3A_139 = arith.constant 0 : i32
    %add3A_140 = arith.addi %add3A_138, %add3A_139 : i32
    %get3A_141 = arith.index_cast %add3A_140 : i32 to index
    %get3A_142 = tpu.vector_load %arg8[%get3A_141] {strides = array<i32>} : memref<4096xi32, #tpu.memory_space<vmem>>, vector<16xi32>,
    %add3A_143 = vector.broadcast %mul3A_30 : i32 to vector<16xi32>
    %add3A_144 = arith.addi %get3A_142, %add3A_143 : vector<16xi32>
    %swap3A_145 = arith.constant 0 : index
    %swap3A_146 = tpu.vector_load %arg9[%swap3A_145] {strides = array<i32>} : memref<16xi32, #tpu.memory_space<vmem>>, vector<16xi32>,
    tpu.vector_store %arg9[%swap3A_145], %add3A_144 {strides = array<i32>} : memref<16xi32, #tpu.memory_space<vmem>>, vector<16xi32>,
    %dma_start3A_147 = arith.constant 0 : i32
    %dma_start3A_148 = arith.constant 0 : i32
    %dma_start3A_149 = tpu.memref_slice %arg3[%dma_start3A_147, %dma_start3A_148] : memref<16384x1024xf32, #tpu.memory_space<hbm>> -> memref<16384x1024xf32, #tpu.memory_space<hbm>>
    tpu.enqueue_indirect_dma source(%dma_start3A_149 : memref<16384x1024xf32, #tpu.memory_space<hbm>>) target(%arg15 : memref<16x1024xf32, #tpu.memory_space<vmem>>) offsets(%arg9 : memref<16xi32, #tpu.memory_space<vmem>>) semaphore(%arg21 : memref<!tpu.dma_semaphore, #tpu.memory_space<semaphore_mem>>)
    %dma_wait3A_150 = arith.constant 0 : i32
    %dma_wait3A_151 = arith.constant 0 : i32
    %dma_wait3A_152 = tpu.memref_slice %arg3[%dma_wait3A_150, %dma_wait3A_151] : memref<16384x1024xf32, #tpu.memory_space<hbm>> -> memref<16384x1024xf32, #tpu.memory_space<hbm>>
    tpu.wait_indirect_dma semaphore(%arg22 : memref<!tpu.dma_semaphore, #tpu.memory_space<semaphore_mem>>) src(%dma_wait3A_152 : memref<16384x1024xf32, #tpu.memory_space<hbm>>) dst(%arg16 : memref<16x1024xf32, #tpu.memory_space<vmem>>)
    %mul3A_153 = arith.constant 128 : i32
    %mul3A_154 = arith.muli %add3A, %mul3A_153 : i32
    %add3A_155 = arith.constant 16 : i32
    %add3A_156 = arith.addi %mul3A_154, %add3A_155 : i32
    %dma_start3A_157 = arith.constant 0 : i32
    %dma_start3A_158 = tpu.memref_slice %arg5[%add3A_156, %dma_start3A_157] : memref<4096x1024xf32, #tpu.memory_space<hbm>> -> memref<16x1024xf32, #tpu.memory_space<hbm>>
    %dma_start3A_159 = arith.constant 0 : i32
    %dma_start3A_160 = tpu.memref_slice %arg5[%add3A_156, %dma_start3A_159] : memref<4096x1024xf32, #tpu.memory_space<hbm>> -> memref<16x1024xf32, #tpu.memory_space<hbm>>
    tpu.enqueue_dma source(%arg16 : memref<16x1024xf32, #tpu.memory_space<vmem>>) target(%dma_start3A_160 : memref<16x1024xf32, #tpu.memory_space<hbm>>) target_semaphore(%arg28 : memref<!tpu.dma_semaphore, #tpu.memory_space<semaphore_mem>>)
    %dma_wait3A_161 = arith.constant 0 : i32
    %dma_wait3A_162 = tpu.memref_slice %arg5[%add3A_156, %dma_wait3A_161] : memref<4096x1024xf32, #tpu.memory_space<hbm>> -> memref<16x1024xf32, #tpu.memory_space<hbm>>
    %dma_wait3A_163 = arith.constant 0 : i32
    %dma_wait3A_164 = tpu.memref_slice %arg5[%add3A_156, %dma_wait3A_163] : memref<4096x1024xf32, #tpu.memory_space<hbm>> -> memref<16x1024xf32, #tpu.memory_space<hbm>>
    tpu.wait_dma2 semaphore(%arg28 : memref<!tpu.dma_semaphore, #tpu.memory_space<semaphore_mem>>) src(%arg16 : memref<16x1024xf32, #tpu.memory_space<vmem>>) dst(%dma_wait3A_164 : memref<16x1024xf32, #tpu.memory_space<hbm>>)
    %add3A_165 = arith.constant 112 : i32
    %add3A_166 = arith.addi %mul3A_47, %add3A_165 : i32
    %add3A_167 = arith.constant 0 : i32
    %add3A_168 = arith.addi %add3A_166, %add3A_167 : i32
    %get3A_169 = arith.index_cast %add3A_168 : i32 to index
    %get3A_170 = tpu.vector_load %arg8[%get3A_169] {strides = array<i32>} : memref<4096xi32, #tpu.memory_space<vmem>>, vector<16xi32>,
    %add3A_171 = vector.broadcast %mul3A_30 : i32 to vector<16xi32>
    %add3A_172 = arith.addi %get3A_170, %add3A_171 : vector<16xi32>
    %swap3A_173 = arith.constant 0 : index
    %swap3A_174 = tpu.vector_load %arg10[%swap3A_173] {strides = array<i32>} : memref<16xi32, #tpu.memory_space<vmem>>, vector<16xi32>,
    tpu.vector_store %arg10[%swap3A_173], %add3A_172 {strides = array<i32>} : memref<16xi32, #tpu.memory_space<vmem>>, vector<16xi32>,
    %dma_start3A_175 = arith.constant 0 : i32
    %dma_start3A_176 = arith.constant 0 : i32
    %dma_start3A_177 = tpu.memref_slice %arg3[%dma_start3A_175, %dma_start3A_176] : memref<16384x1024xf32, #tpu.memory_space<hbm>> -> memref<16384x1024xf32, #tpu.memory_space<hbm>>
    tpu.enqueue_indirect_dma source(%dma_start3A_177 : memref<16384x1024xf32, #tpu.memory_space<hbm>>) target(%arg16 : memref<16x1024xf32, #tpu.memory_space<vmem>>) offsets(%arg10 : memref<16xi32, #tpu.memory_space<vmem>>) semaphore(%arg22 : memref<!tpu.dma_semaphore, #tpu.memory_space<semaphore_mem>>)
    %dma_wait3A_178 = arith.constant 0 : i32
    %dma_wait3A_179 = arith.constant 0 : i32
    %dma_wait3A_180 = tpu.memref_slice %arg3[%dma_wait3A_178, %dma_wait3A_179] : memref<16384x1024xf32, #tpu.memory_space<hbm>> -> memref<16384x1024xf32, #tpu.memory_space<hbm>>
    tpu.wait_indirect_dma semaphore(%arg23 : memref<!tpu.dma_semaphore, #tpu.memory_space<semaphore_mem>>) src(%dma_wait3A_180 : memref<16384x1024xf32, #tpu.memory_space<hbm>>) dst(%arg17 : memref<16x1024xf32, #tpu.memory_space<vmem>>)
    %mul3A_181 = arith.constant 128 : i32
    %mul3A_182 = arith.muli %add3A, %mul3A_181 : i32
    %add3A_183 = arith.constant 32 : i32
    %add3A_184 = arith.addi %mul3A_182, %add3A_183 : i32
    %dma_start3A_185 = arith.constant 0 : i32
    %dma_start3A_186 = tpu.memref_slice %arg5[%add3A_184, %dma_start3A_185] : memref<4096x1024xf32, #tpu.memory_space<hbm>> -> memref<16x1024xf32, #tpu.memory_space<hbm>>
    %dma_start3A_187 = arith.constant 0 : i32
    %dma_start3A_188 = tpu.memref_slice %arg5[%add3A_184, %dma_start3A_187] : memref<4096x1024xf32, #tpu.memory_space<hbm>> -> memref<16x1024xf32, #tpu.memory_space<hbm>>
    tpu.enqueue_dma source(%arg17 : memref<16x1024xf32, #tpu.memory_space<vmem>>) target(%dma_start3A_188 : memref<16x1024xf32, #tpu.memory_space<hbm>>) target_semaphore(%arg29 : memref<!tpu.dma_semaphore, #tpu.memory_space<semaphore_mem>>)
    %dma_wait3A_189 = arith.constant 0 : i32
    %dma_wait3A_190 = arith.constant 0 : i32
    %dma_wait3A_191 = tpu.memref_slice %arg3[%dma_wait3A_189, %dma_wait3A_190] : memref<16384x1024xf32, #tpu.memory_space<hbm>> -> memref<16384x1024xf32, #tpu.memory_space<hbm>>
    tpu.wait_indirect_dma semaphore(%arg24 : memref<!tpu.dma_semaphore, #tpu.memory_space<semaphore_mem>>) src(%dma_wait3A_191 : memref<16384x1024xf32, #tpu.memory_space<hbm>>) dst(%arg18 : memref<16x1024xf32, #tpu.memory_space<vmem>>)
    %mul3A_192 = arith.constant 128 : i32
    %mul3A_193 = arith.muli %add3A, %mul3A_192 : i32
    %add3A_194 = arith.constant 48 : i32
    %add3A_195 = arith.addi %mul3A_193, %add3A_194 : i32
    %dma_start3A_196 = arith.constant 0 : i32
    %dma_start3A_197 = tpu.memref_slice %arg5[%add3A_195, %dma_start3A_196] : memref<4096x1024xf32, #tpu.memory_space<hbm>> -> memref<16x1024xf32, #tpu.memory_space<hbm>>
    %dma_start3A_198 = arith.constant 0 : i32
    %dma_start3A_199 = tpu.memref_slice %arg5[%add3A_195, %dma_start3A_198] : memref<4096x1024xf32, #tpu.memory_space<hbm>> -> memref<16x1024xf32, #tpu.memory_space<hbm>>
    tpu.enqueue_dma source(%arg18 : memref<16x1024xf32, #tpu.memory_space<vmem>>) target(%dma_start3A_199 : memref<16x1024xf32, #tpu.memory_space<hbm>>) target_semaphore(%arg30 : memref<!tpu.dma_semaphore, #tpu.memory_space<semaphore_mem>>)
    %dma_wait3A_200 = arith.constant 0 : i32
    %dma_wait3A_201 = arith.constant 0 : i32
    %dma_wait3A_202 = tpu.memref_slice %arg3[%dma_wait3A_200, %dma_wait3A_201] : memref<16384x1024xf32, #tpu.memory_space<hbm>> -> memref<16384x1024xf32, #tpu.memory_space<hbm>>
    tpu.wait_indirect_dma semaphore(%arg25 : memref<!tpu.dma_semaphore, #tpu.memory_space<semaphore_mem>>) src(%dma_wait3A_202 : memref<16384x1024xf32, #tpu.memory_space<hbm>>) dst(%arg19 : memref<16x1024xf32, #tpu.memory_space<vmem>>)
    %mul3A_203 = arith.constant 128 : i32
    %mul3A_204 = arith.muli %add3A, %mul3A_203 : i32
    %add3A_205 = arith.constant 64 : i32
    %add3A_206 = arith.addi %mul3A_204, %add3A_205 : i32
    %dma_start3A_207 = arith.constant 0 : i32
    %dma_start3A_208 = tpu.memref_slice %arg5[%add3A_206, %dma_start3A_207] : memref<4096x1024xf32, #tpu.memory_space<hbm>> -> memref<16x1024xf32, #tpu.memory_space<hbm>>
    %dma_start3A_209 = arith.constant 0 : i32
    %dma_start3A_210 = tpu.memref_slice %arg5[%add3A_206, %dma_start3A_209] : memref<4096x1024xf32, #tpu.memory_space<hbm>> -> memref<16x1024xf32, #tpu.memory_space<hbm>>
    tpu.enqueue_dma source(%arg19 : memref<16x1024xf32, #tpu.memory_space<vmem>>) target(%dma_start3A_210 : memref<16x1024xf32, #tpu.memory_space<hbm>>) target_semaphore(%arg31 : memref<!tpu.dma_semaphore, #tpu.memory_space<semaphore_mem>>)
    %dma_wait3A_211 = arith.constant 0 : i32
    %dma_wait3A_212 = arith.constant 0 : i32
    %dma_wait3A_213 = tpu.memref_slice %arg3[%dma_wait3A_211, %dma_wait3A_212] : memref<16384x1024xf32, #tpu.memory_space<hbm>> -> memref<16384x1024xf32, #tpu.memory_space<hbm>>
    tpu.wait_indirect_dma semaphore(%arg26 : memref<!tpu.dma_semaphore, #tpu.memory_space<semaphore_mem>>) src(%dma_wait3A_213 : memref<16384x1024xf32, #tpu.memory_space<hbm>>) dst(%arg20 : memref<16x1024xf32, #tpu.memory_space<vmem>>)
    %mul3A_214 = arith.constant 128 : i32
    %mul3A_215 = arith.muli %add3A, %mul3A_214 : i32
    %add3A_216 = arith.constant 80 : i32
    %add3A_217 = arith.addi %mul3A_215, %add3A_216 : i32
    %dma_start3A_218 = arith.constant 0 : i32
    %dma_start3A_219 = tpu.memref_slice %arg5[%add3A_217, %dma_start3A_218] : memref<4096x1024xf32, #tpu.memory_space<hbm>> -> memref<16x1024xf32, #tpu.memory_space<hbm>>
    %dma_start3A_220 = arith.constant 0 : i32
    %dma_start3A_221 = tpu.memref_slice %arg5[%add3A_217, %dma_start3A_220] : memref<4096x1024xf32, #tpu.memory_space<hbm>> -> memref<16x1024xf32, #tpu.memory_space<hbm>>
    tpu.enqueue_dma source(%arg20 : memref<16x1024xf32, #tpu.memory_space<vmem>>) target(%dma_start3A_221 : memref<16x1024xf32, #tpu.memory_space<hbm>>) target_semaphore(%arg32 : memref<!tpu.dma_semaphore, #tpu.memory_space<semaphore_mem>>)
    %dma_wait3A_222 = arith.constant 0 : i32
    %dma_wait3A_223 = arith.constant 0 : i32
    %dma_wait3A_224 = tpu.memref_slice %arg3[%dma_wait3A_222, %dma_wait3A_223] : memref<16384x1024xf32, #tpu.memory_space<hbm>> -> memref<16384x1024xf32, #tpu.memory_space<hbm>>
    tpu.wait_indirect_dma semaphore(%arg21 : memref<!tpu.dma_semaphore, #tpu.memory_space<semaphore_mem>>) src(%dma_wait3A_224 : memref<16384x1024xf32, #tpu.memory_space<hbm>>) dst(%arg15 : memref<16x1024xf32, #tpu.memory_space<vmem>>)
    %mul3A_225 = arith.constant 128 : i32
    %mul3A_226 = arith.muli %add3A, %mul3A_225 : i32
    %add3A_227 = arith.constant 96 : i32
    %add3A_228 = arith.addi %mul3A_226, %add3A_227 : i32
    %dma_start3A_229 = arith.constant 0 : i32
    %dma_start3A_230 = tpu.memref_slice %arg5[%add3A_228, %dma_start3A_229] : memref<4096x1024xf32, #tpu.memory_space<hbm>> -> memref<16x1024xf32, #tpu.memory_space<hbm>>
    %dma_start3A_231 = arith.constant 0 : i32
    %dma_start3A_232 = tpu.memref_slice %arg5[%add3A_228, %dma_start3A_231] : memref<4096x1024xf32, #tpu.memory_space<hbm>> -> memref<16x1024xf32, #tpu.memory_space<hbm>>
    tpu.enqueue_dma source(%arg15 : memref<16x1024xf32, #tpu.memory_space<vmem>>) target(%dma_start3A_232 : memref<16x1024xf32, #tpu.memory_space<hbm>>) target_semaphore(%arg27 : memref<!tpu.dma_semaphore, #tpu.memory_space<semaphore_mem>>)
    %dma_wait3A_233 = arith.constant 0 : i32
    %dma_wait3A_234 = arith.constant 0 : i32
    %dma_wait3A_235 = tpu.memref_slice %arg3[%dma_wait3A_233, %dma_wait3A_234] : memref<16384x1024xf32, #tpu.memory_space<hbm>> -> memref<16384x1024xf32, #tpu.memory_space<hbm>>
    tpu.wait_indirect_dma semaphore(%arg22 : memref<!tpu.dma_semaphore, #tpu.memory_space<semaphore_mem>>) src(%dma_wait3A_235 : memref<16384x1024xf32, #tpu.memory_space<hbm>>) dst(%arg16 : memref<16x1024xf32, #tpu.memory_space<vmem>>)
    %mul3A_236 = arith.constant 128 : i32
    %mul3A_237 = arith.muli %add3A, %mul3A_236 : i32
    %add3A_238 = arith.constant 112 : i32
    %add3A_239 = arith.addi %mul3A_237, %add3A_238 : i32
    %dma_start3A_240 = arith.constant 0 : i32
    %dma_start3A_241 = tpu.memref_slice %arg5[%add3A_239, %dma_start3A_240] : memref<4096x1024xf32, #tpu.memory_space<hbm>> -> memref<16x1024xf32, #tpu.memory_space<hbm>>
    %dma_start3A_242 = arith.constant 0 : i32
    %dma_start3A_243 = tpu.memref_slice %arg5[%add3A_239, %dma_start3A_242] : memref<4096x1024xf32, #tpu.memory_space<hbm>> -> memref<16x1024xf32, #tpu.memory_space<hbm>>
    tpu.enqueue_dma source(%arg16 : memref<16x1024xf32, #tpu.memory_space<vmem>>) target(%dma_start3A_243 : memref<16x1024xf32, #tpu.memory_space<hbm>>) target_semaphore(%arg28 : memref<!tpu.dma_semaphore, #tpu.memory_space<semaphore_mem>>)
    %dma_wait3A_244 = arith.constant 0 : i32
    %dma_wait3A_245 = tpu.memref_slice %arg5[%add3A_228, %dma_wait3A_244] : memref<4096x1024xf32, #tpu.memory_space<hbm>> -> memref<16x1024xf32, #tpu.memory_space<hbm>>
    %dma_wait3A_246 = arith.constant 0 : i32
    %dma_wait3A_247 = tpu.memref_slice %arg5[%add3A_228, %dma_wait3A_246] : memref<4096x1024xf32, #tpu.memory_space<hbm>> -> memref<16x1024xf32, #tpu.memory_space<hbm>>
    tpu.wait_dma2 semaphore(%arg27 : memref<!tpu.dma_semaphore, #tpu.memory_space<semaphore_mem>>) src(%arg15 : memref<16x1024xf32, #tpu.memory_space<vmem>>) dst(%dma_wait3A_247 : memref<16x1024xf32, #tpu.memory_space<hbm>>)
    %dma_wait3A_248 = arith.constant 0 : i32
    %dma_wait3A_249 = tpu.memref_slice %arg5[%add3A_239, %dma_wait3A_248] : memref<4096x1024xf32, #tpu.memory_space<hbm>> -> memref<16x1024xf32, #tpu.memory_space<hbm>>
    %dma_wait3A_250 = arith.constant 0 : i32
    %dma_wait3A_251 = tpu.memref_slice %arg5[%add3A_239, %dma_wait3A_250] : memref<4096x1024xf32, #tpu.memory_space<hbm>> -> memref<16x1024xf32, #tpu.memory_space<hbm>>
    tpu.wait_dma2 semaphore(%arg28 : memref<!tpu.dma_semaphore, #tpu.memory_space<semaphore_mem>>) src(%arg16 : memref<16x1024xf32, #tpu.memory_space<vmem>>) dst(%dma_wait3A_251 : memref<16x1024xf32, #tpu.memory_space<hbm>>)
    %dma_wait3A_252 = arith.constant 0 : i32
    %dma_wait3A_253 = tpu.memref_slice %arg5[%add3A_184, %dma_wait3A_252] : memref<4096x1024xf32, #tpu.memory_space<hbm>> -> memref<16x1024xf32, #tpu.memory_space<hbm>>
    %dma_wait3A_254 = arith.constant 0 : i32
    %dma_wait3A_255 = tpu.memref_slice %arg5[%add3A_184, %dma_wait3A_254] : memref<4096x1024xf32, #tpu.memory_space<hbm>> -> memref<16x1024xf32, #tpu.memory_space<hbm>>
    tpu.wait_dma2 semaphore(%arg29 : memref<!tpu.dma_semaphore, #tpu.memory_space<semaphore_mem>>) src(%arg17 : memref<16x1024xf32, #tpu.memory_space<vmem>>) dst(%dma_wait3A_255 : memref<16x1024xf32, #tpu.memory_space<hbm>>)
    %dma_wait3A_256 = arith.constant 0 : i32
    %dma_wait3A_257 = tpu.memref_slice %arg5[%add3A_195, %dma_wait3A_256] : memref<4096x1024xf32, #tpu.memory_space<hbm>> -> memref<16x1024xf32, #tpu.memory_space<hbm>>
    %dma_wait3A_258 = arith.constant 0 : i32
    %dma_wait3A_259 = tpu.memref_slice %arg5[%add3A_195, %dma_wait3A_258] : memref<4096x1024xf32, #tpu.memory_space<hbm>> -> memref<16x1024xf32, #tpu.memory_space<hbm>>
    tpu.wait_dma2 semaphore(%arg30 : memref<!tpu.dma_semaphore, #tpu.memory_space<semaphore_mem>>) src(%arg18 : memref<16x1024xf32, #tpu.memory_space<vmem>>) dst(%dma_wait3A_259 : memref<16x1024xf32, #tpu.memory_space<hbm>>)
    %dma_wait3A_260 = arith.constant 0 : i32
    %dma_wait3A_261 = tpu.memref_slice %arg5[%add3A_206, %dma_wait3A_260] : memref<4096x1024xf32, #tpu.memory_space<hbm>> -> memref<16x1024xf32, #tpu.memory_space<hbm>>
    %dma_wait3A_262 = arith.constant 0 : i32
    %dma_wait3A_263 = tpu.memref_slice %arg5[%add3A_206, %dma_wait3A_262] : memref<4096x1024xf32, #tpu.memory_space<hbm>> -> memref<16x1024xf32, #tpu.memory_space<hbm>>
    tpu.wait_dma2 semaphore(%arg31 : memref<!tpu.dma_semaphore, #tpu.memory_space<semaphore_mem>>) src(%arg19 : memref<16x1024xf32, #tpu.memory_space<vmem>>) dst(%dma_wait3A_263 : memref<16x1024xf32, #tpu.memory_space<hbm>>)
    %dma_wait3A_264 = arith.constant 0 : i32
    %dma_wait3A_265 = tpu.memref_slice %arg5[%add3A_217, %dma_wait3A_264] : memref<4096x1024xf32, #tpu.memory_space<hbm>> -> memref<16x1024xf32, #tpu.memory_space<hbm>>
    %dma_wait3A_266 = arith.constant 0 : i32
    %dma_wait3A_267 = tpu.memref_slice %arg5[%add3A_217, %dma_wait3A_266] : memref<4096x1024xf32, #tpu.memory_space<hbm>> -> memref<16x1024xf32, #tpu.memory_space<hbm>>
    tpu.wait_dma2 semaphore(%arg32 : memref<!tpu.dma_semaphore, #tpu.memory_space<semaphore_mem>>) src(%arg20 : memref<16x1024xf32, #tpu.memory_space<vmem>>) dst(%dma_wait3A_267 : memref<16x1024xf32, #tpu.memory_space<hbm>>)
    return
  }
}

module attributes {stable_mosaic.version = 14 : i64} {
  func.func @_rank_kernel(%arg0: memref<4x32x128xf32, #tpu.memory_space<vmem>>, %arg1: memref<4x32x128xf32, #tpu.memory_space<vmem>>, %arg2: memref<32x128xi32, #tpu.memory_space<vmem>>) attributes {dimension_semantics = [], scalar_prefetch = 0 : i64, scratch_operands = 0 : i64, tpu.core_type = #tpu.core_type<tc>} {
    %get3A = arith.constant 0 : index
    %get3A_0 = arith.constant 0 : index
    %get3A_1 = arith.constant 0 : index
    %get3A_2 = vector.load %arg0[%get3A, %get3A_0, %get3A_1] : memref<4x32x128xf32, #tpu.memory_space<vmem>>, vector<4x32x128xf32>
    %get3A_3 = arith.constant 0 : index
    %get3A_4 = arith.constant 0 : index
    %get3A_5 = arith.constant 0 : index
    %get3A_6 = vector.load %arg1[%get3A_3, %get3A_4, %get3A_5] : memref<4x32x128xf32, #tpu.memory_space<vmem>>, vector<4x32x128xf32>
    %concatenate3A = tpu.concatenate %get3A_2, %get3A_6 in 0 : vector<4x32x128xf32>, vector<4x32x128xf32> -> vector<8x32x128xf32>
    %broadcast_in_dim3A = arith.constant 0x7F800000 : f32
    %broadcast_in_dim3A_7 = vector.broadcast %broadcast_in_dim3A : f32 to vector<8x1x1xf32>
    %broadcast_in_dim3A_8 = arith.constant 5.000000e+00 : f32
    %broadcast_in_dim3A_9 = vector.broadcast %broadcast_in_dim3A_8 : f32 to vector<8x1x1xf32>
    %broadcast_in_dim3A_10 = arith.constant 0.000000e+00 : f32
    %broadcast_in_dim3A_11 = vector.broadcast %broadcast_in_dim3A_10 : f32 to vector<8x1x1xf32>
    %broadcast_in_dim3A_12 = arith.constant false
    %broadcast_in_dim3A_13 = vector.broadcast %broadcast_in_dim3A_12 : i1 to vector<8x1x1xi1>
    %lt3A = vector.broadcast %broadcast_in_dim3A_7 : vector<8x1x1xf32> to vector<8x32x128xf32>
    %lt3A_14 = arith.cmpf olt, %concatenate3A, %lt3A : vector<8x32x128xf32>
    %jit3A = arith.constant 0xFF800000 : f32
    %broadcast_in_dim3A_15 = vector.broadcast %jit3A : f32 to vector<8x32x128xf32>
    %select_n3A = arith.select %lt3A_14, %concatenate3A, %broadcast_in_dim3A_15 : vector<8x32x128xi1>, vector<8x32x128xf32>
    %reduce_max3A = arith.constant dense<0xFF800000> : vector<8x32xf32>
    %reduce_max3A_16 = vector.multi_reduction <maximumf>, %select_n3A, %reduce_max3A [2] : vector<8x32x128xf32> to vector<8x32xf32>
    %broadcast_in_dim3A_17 = vector.shape_cast %reduce_max3A_16 : vector<8x32xf32> to vector<8x32x1xf32>
    %reduce_max3A_18 = arith.constant dense<0xFF800000> : vector<8x1xf32>
    %reduce_max3A_19 = vector.multi_reduction <maximumf>, %broadcast_in_dim3A_17, %reduce_max3A_18 [1] : vector<8x32x1xf32> to vector<8x1xf32>
    %broadcast_in_dim3A_20 = vector.shape_cast %reduce_max3A_19 : vector<8x1xf32> to vector<8x1x1xf32>
    %eq3A = vector.broadcast %broadcast_in_dim3A_20 : vector<8x1x1xf32> to vector<8x32x128xf32>
    %eq3A_21 = arith.cmpf oeq, %concatenate3A, %eq3A : vector<8x32x128xf32>
    %jit3A_22 = arith.constant 1.000000e+00 : f32
    %jit3A_23 = arith.constant 0.000000e+00 : f32
    %broadcast_in_dim3A_24 = vector.broadcast %jit3A_22 : f32 to vector<8x32x128xf32>
    %broadcast_in_dim3A_25 = vector.broadcast %jit3A_23 : f32 to vector<8x32x128xf32>
    %select_n3A_26 = arith.select %eq3A_21, %broadcast_in_dim3A_24, %broadcast_in_dim3A_25 : vector<8x32x128xi1>, vector<8x32x128xf32>
    %reduce_sum3A = arith.constant dense<0.000000e+00> : vector<8x32xf32>
    %reduce_sum3A_27 = vector.multi_reduction <add>, %select_n3A_26, %reduce_sum3A [2] : vector<8x32x128xf32> to vector<8x32xf32>
    %broadcast_in_dim3A_28 = vector.shape_cast %reduce_sum3A_27 : vector<8x32xf32> to vector<8x32x1xf32>
    %reduce_sum3A_29 = arith.constant dense<0.000000e+00> : vector<8x1xf32>
    %reduce_sum3A_30 = vector.multi_reduction <add>, %broadcast_in_dim3A_28, %reduce_sum3A_29 [1] : vector<8x32x1xf32> to vector<8x1xf32>
    %broadcast_in_dim3A_31 = vector.shape_cast %reduce_sum3A_30 : vector<8x1xf32> to vector<8x1x1xf32>
    %not3A = arith.constant dense<true> : vector<8x1x1xi1>
    %not3A_32 = arith.xori %broadcast_in_dim3A_13, %not3A : vector<8x1x1xi1>
    %le3A = arith.cmpf ole, %broadcast_in_dim3A_9, %broadcast_in_dim3A_31 : vector<8x1x1xf32>
    %and3A = arith.andi %not3A_32, %le3A : vector<8x1x1xi1>
    %select_n3A_33 = arith.select %and3A, %broadcast_in_dim3A_20, %broadcast_in_dim3A_11 : vector<8x1x1xi1>, vector<8x1x1xf32>
    %sub3A = arith.subf %broadcast_in_dim3A_9, %broadcast_in_dim3A_31 : vector<8x1x1xf32>
    %or3A = arith.ori %broadcast_in_dim3A_13, %and3A : vector<8x1x1xi1>
    %lt3A_34 = vector.broadcast %broadcast_in_dim3A_20 : vector<8x1x1xf32> to vector<8x32x128xf32>
    %lt3A_35 = arith.cmpf olt, %concatenate3A, %lt3A_34 : vector<8x32x128xf32>
    %jit3A_36 = arith.constant 0xFF800000 : f32
    %broadcast_in_dim3A_37 = vector.broadcast %jit3A_36 : f32 to vector<8x32x128xf32>
    %select_n3A_38 = arith.select %lt3A_35, %concatenate3A, %broadcast_in_dim3A_37 : vector<8x32x128xi1>, vector<8x32x128xf32>
    %reduce_max3A_39 = arith.constant dense<0xFF800000> : vector<8x32xf32>
    %reduce_max3A_40 = vector.multi_reduction <maximumf>, %select_n3A_38, %reduce_max3A_39 [2] : vector<8x32x128xf32> to vector<8x32xf32>
    %broadcast_in_dim3A_41 = vector.shape_cast %reduce_max3A_40 : vector<8x32xf32> to vector<8x32x1xf32>
    %reduce_max3A_42 = arith.constant dense<0xFF800000> : vector<8x1xf32>
    %reduce_max3A_43 = vector.multi_reduction <maximumf>, %broadcast_in_dim3A_41, %reduce_max3A_42 [1] : vector<8x32x1xf32> to vector<8x1xf32>
    %broadcast_in_dim3A_44 = vector.shape_cast %reduce_max3A_43 : vector<8x1xf32> to vector<8x1x1xf32>
    %eq3A_45 = vector.broadcast %broadcast_in_dim3A_44 : vector<8x1x1xf32> to vector<8x32x128xf32>
    %eq3A_46 = arith.cmpf oeq, %concatenate3A, %eq3A_45 : vector<8x32x128xf32>
    %jit3A_47 = arith.constant 1.000000e+00 : f32
    %jit3A_48 = arith.constant 0.000000e+00 : f32
    %broadcast_in_dim3A_49 = vector.broadcast %jit3A_47 : f32 to vector<8x32x128xf32>
    %broadcast_in_dim3A_50 = vector.broadcast %jit3A_48 : f32 to vector<8x32x128xf32>
    %select_n3A_51 = arith.select %eq3A_46, %broadcast_in_dim3A_49, %broadcast_in_dim3A_50 : vector<8x32x128xi1>, vector<8x32x128xf32>
    %reduce_sum3A_52 = arith.constant dense<0.000000e+00> : vector<8x32xf32>
    %reduce_sum3A_53 = vector.multi_reduction <add>, %select_n3A_51, %reduce_sum3A_52 [2] : vector<8x32x128xf32> to vector<8x32xf32>
    %broadcast_in_dim3A_54 = vector.shape_cast %reduce_sum3A_53 : vector<8x32xf32> to vector<8x32x1xf32>
    %reduce_sum3A_55 = arith.constant dense<0.000000e+00> : vector<8x1xf32>
    %reduce_sum3A_56 = vector.multi_reduction <add>, %broadcast_in_dim3A_54, %reduce_sum3A_55 [1] : vector<8x32x1xf32> to vector<8x1xf32>
    %broadcast_in_dim3A_57 = vector.shape_cast %reduce_sum3A_56 : vector<8x1xf32> to vector<8x1x1xf32>
    %not3A_58 = arith.constant dense<true> : vector<8x1x1xi1>
    %not3A_59 = arith.xori %or3A, %not3A_58 : vector<8x1x1xi1>
    %le3A_60 = arith.cmpf ole, %sub3A, %broadcast_in_dim3A_57 : vector<8x1x1xf32>
    %and3A_61 = arith.andi %not3A_59, %le3A_60 : vector<8x1x1xi1>
    %select_n3A_62 = arith.select %and3A_61, %broadcast_in_dim3A_44, %select_n3A_33 : vector<8x1x1xi1>, vector<8x1x1xf32>
    %sub3A_63 = arith.subf %sub3A, %broadcast_in_dim3A_57 : vector<8x1x1xf32>
    %or3A_64 = arith.ori %or3A, %and3A_61 : vector<8x1x1xi1>
    %lt3A_65 = vector.broadcast %broadcast_in_dim3A_44 : vector<8x1x1xf32> to vector<8x32x128xf32>
    %lt3A_66 = arith.cmpf olt, %concatenate3A, %lt3A_65 : vector<8x32x128xf32>
    %jit3A_67 = arith.constant 0xFF800000 : f32
    %broadcast_in_dim3A_68 = vector.broadcast %jit3A_67 : f32 to vector<8x32x128xf32>
    %select_n3A_69 = arith.select %lt3A_66, %concatenate3A, %broadcast_in_dim3A_68 : vector<8x32x128xi1>, vector<8x32x128xf32>
    %reduce_max3A_70 = arith.constant dense<0xFF800000> : vector<8x32xf32>
    %reduce_max3A_71 = vector.multi_reduction <maximumf>, %select_n3A_69, %reduce_max3A_70 [2] : vector<8x32x128xf32> to vector<8x32xf32>
    %broadcast_in_dim3A_72 = vector.shape_cast %reduce_max3A_71 : vector<8x32xf32> to vector<8x32x1xf32>
    %reduce_max3A_73 = arith.constant dense<0xFF800000> : vector<8x1xf32>
    %reduce_max3A_74 = vector.multi_reduction <maximumf>, %broadcast_in_dim3A_72, %reduce_max3A_73 [1] : vector<8x32x1xf32> to vector<8x1xf32>
    %broadcast_in_dim3A_75 = vector.shape_cast %reduce_max3A_74 : vector<8x1xf32> to vector<8x1x1xf32>
    %eq3A_76 = vector.broadcast %broadcast_in_dim3A_75 : vector<8x1x1xf32> to vector<8x32x128xf32>
    %eq3A_77 = arith.cmpf oeq, %concatenate3A, %eq3A_76 : vector<8x32x128xf32>
    %jit3A_78 = arith.constant 1.000000e+00 : f32
    %jit3A_79 = arith.constant 0.000000e+00 : f32
    %broadcast_in_dim3A_80 = vector.broadcast %jit3A_78 : f32 to vector<8x32x128xf32>
    %broadcast_in_dim3A_81 = vector.broadcast %jit3A_79 : f32 to vector<8x32x128xf32>
    %select_n3A_82 = arith.select %eq3A_77, %broadcast_in_dim3A_80, %broadcast_in_dim3A_81 : vector<8x32x128xi1>, vector<8x32x128xf32>
    %reduce_sum3A_83 = arith.constant dense<0.000000e+00> : vector<8x32xf32>
    %reduce_sum3A_84 = vector.multi_reduction <add>, %select_n3A_82, %reduce_sum3A_83 [2] : vector<8x32x128xf32> to vector<8x32xf32>
    %broadcast_in_dim3A_85 = vector.shape_cast %reduce_sum3A_84 : vector<8x32xf32> to vector<8x32x1xf32>
    %reduce_sum3A_86 = arith.constant dense<0.000000e+00> : vector<8x1xf32>
    %reduce_sum3A_87 = vector.multi_reduction <add>, %broadcast_in_dim3A_85, %reduce_sum3A_86 [1] : vector<8x32x1xf32> to vector<8x1xf32>
    %broadcast_in_dim3A_88 = vector.shape_cast %reduce_sum3A_87 : vector<8x1xf32> to vector<8x1x1xf32>
    %not3A_89 = arith.constant dense<true> : vector<8x1x1xi1>
    %not3A_90 = arith.xori %or3A_64, %not3A_89 : vector<8x1x1xi1>
    %le3A_91 = arith.cmpf ole, %sub3A_63, %broadcast_in_dim3A_88 : vector<8x1x1xf32>
    %and3A_92 = arith.andi %not3A_90, %le3A_91 : vector<8x1x1xi1>
    %select_n3A_93 = arith.select %and3A_92, %broadcast_in_dim3A_75, %select_n3A_62 : vector<8x1x1xi1>, vector<8x1x1xf32>
    %sub3A_94 = arith.subf %sub3A_63, %broadcast_in_dim3A_88 : vector<8x1x1xf32>
    %or3A_95 = arith.ori %or3A_64, %and3A_92 : vector<8x1x1xi1>
    %lt3A_96 = vector.broadcast %broadcast_in_dim3A_75 : vector<8x1x1xf32> to vector<8x32x128xf32>
    %lt3A_97 = arith.cmpf olt, %concatenate3A, %lt3A_96 : vector<8x32x128xf32>
    %jit3A_98 = arith.constant 0xFF800000 : f32
    %broadcast_in_dim3A_99 = vector.broadcast %jit3A_98 : f32 to vector<8x32x128xf32>
    %select_n3A_100 = arith.select %lt3A_97, %concatenate3A, %broadcast_in_dim3A_99 : vector<8x32x128xi1>, vector<8x32x128xf32>
    %reduce_max3A_101 = arith.constant dense<0xFF800000> : vector<8x32xf32>
    %reduce_max3A_102 = vector.multi_reduction <maximumf>, %select_n3A_100, %reduce_max3A_101 [2] : vector<8x32x128xf32> to vector<8x32xf32>
    %broadcast_in_dim3A_103 = vector.shape_cast %reduce_max3A_102 : vector<8x32xf32> to vector<8x32x1xf32>
    %reduce_max3A_104 = arith.constant dense<0xFF800000> : vector<8x1xf32>
    %reduce_max3A_105 = vector.multi_reduction <maximumf>, %broadcast_in_dim3A_103, %reduce_max3A_104 [1] : vector<8x32x1xf32> to vector<8x1xf32>
    %broadcast_in_dim3A_106 = vector.shape_cast %reduce_max3A_105 : vector<8x1xf32> to vector<8x1x1xf32>
    %eq3A_107 = vector.broadcast %broadcast_in_dim3A_106 : vector<8x1x1xf32> to vector<8x32x128xf32>
    %eq3A_108 = arith.cmpf oeq, %concatenate3A, %eq3A_107 : vector<8x32x128xf32>
    %jit3A_109 = arith.constant 1.000000e+00 : f32
    %jit3A_110 = arith.constant 0.000000e+00 : f32
    %broadcast_in_dim3A_111 = vector.broadcast %jit3A_109 : f32 to vector<8x32x128xf32>
    %broadcast_in_dim3A_112 = vector.broadcast %jit3A_110 : f32 to vector<8x32x128xf32>
    %select_n3A_113 = arith.select %eq3A_108, %broadcast_in_dim3A_111, %broadcast_in_dim3A_112 : vector<8x32x128xi1>, vector<8x32x128xf32>
    %reduce_sum3A_114 = arith.constant dense<0.000000e+00> : vector<8x32xf32>
    %reduce_sum3A_115 = vector.multi_reduction <add>, %select_n3A_113, %reduce_sum3A_114 [2] : vector<8x32x128xf32> to vector<8x32xf32>
    %broadcast_in_dim3A_116 = vector.shape_cast %reduce_sum3A_115 : vector<8x32xf32> to vector<8x32x1xf32>
    %reduce_sum3A_117 = arith.constant dense<0.000000e+00> : vector<8x1xf32>
    %reduce_sum3A_118 = vector.multi_reduction <add>, %broadcast_in_dim3A_116, %reduce_sum3A_117 [1] : vector<8x32x1xf32> to vector<8x1xf32>
    %broadcast_in_dim3A_119 = vector.shape_cast %reduce_sum3A_118 : vector<8x1xf32> to vector<8x1x1xf32>
    %not3A_120 = arith.constant dense<true> : vector<8x1x1xi1>
    %not3A_121 = arith.xori %or3A_95, %not3A_120 : vector<8x1x1xi1>
    %le3A_122 = arith.cmpf ole, %sub3A_94, %broadcast_in_dim3A_119 : vector<8x1x1xf32>
    %and3A_123 = arith.andi %not3A_121, %le3A_122 : vector<8x1x1xi1>
    %select_n3A_124 = arith.select %and3A_123, %broadcast_in_dim3A_106, %select_n3A_93 : vector<8x1x1xi1>, vector<8x1x1xf32>
    %sub3A_125 = arith.subf %sub3A_94, %broadcast_in_dim3A_119 : vector<8x1x1xf32>
    %or3A_126 = arith.ori %or3A_95, %and3A_123 : vector<8x1x1xi1>
    %lt3A_127 = vector.broadcast %broadcast_in_dim3A_106 : vector<8x1x1xf32> to vector<8x32x128xf32>
    %lt3A_128 = arith.cmpf olt, %concatenate3A, %lt3A_127 : vector<8x32x128xf32>
    %jit3A_129 = arith.constant 0xFF800000 : f32
    %broadcast_in_dim3A_130 = vector.broadcast %jit3A_129 : f32 to vector<8x32x128xf32>
    %select_n3A_131 = arith.select %lt3A_128, %concatenate3A, %broadcast_in_dim3A_130 : vector<8x32x128xi1>, vector<8x32x128xf32>
    %reduce_max3A_132 = arith.constant dense<0xFF800000> : vector<8x32xf32>
    %reduce_max3A_133 = vector.multi_reduction <maximumf>, %select_n3A_131, %reduce_max3A_132 [2] : vector<8x32x128xf32> to vector<8x32xf32>
    %broadcast_in_dim3A_134 = vector.shape_cast %reduce_max3A_133 : vector<8x32xf32> to vector<8x32x1xf32>
    %reduce_max3A_135 = arith.constant dense<0xFF800000> : vector<8x1xf32>
    %reduce_max3A_136 = vector.multi_reduction <maximumf>, %broadcast_in_dim3A_134, %reduce_max3A_135 [1] : vector<8x32x1xf32> to vector<8x1xf32>
    %broadcast_in_dim3A_137 = vector.shape_cast %reduce_max3A_136 : vector<8x1xf32> to vector<8x1x1xf32>
    %eq3A_138 = vector.broadcast %broadcast_in_dim3A_137 : vector<8x1x1xf32> to vector<8x32x128xf32>
    %eq3A_139 = arith.cmpf oeq, %concatenate3A, %eq3A_138 : vector<8x32x128xf32>
    %jit3A_140 = arith.constant 1.000000e+00 : f32
    %jit3A_141 = arith.constant 0.000000e+00 : f32
    %broadcast_in_dim3A_142 = vector.broadcast %jit3A_140 : f32 to vector<8x32x128xf32>
    %broadcast_in_dim3A_143 = vector.broadcast %jit3A_141 : f32 to vector<8x32x128xf32>
    %select_n3A_144 = arith.select %eq3A_139, %broadcast_in_dim3A_142, %broadcast_in_dim3A_143 : vector<8x32x128xi1>, vector<8x32x128xf32>
    %reduce_sum3A_145 = arith.constant dense<0.000000e+00> : vector<8x32xf32>
    %reduce_sum3A_146 = vector.multi_reduction <add>, %select_n3A_144, %reduce_sum3A_145 [2] : vector<8x32x128xf32> to vector<8x32xf32>
    %broadcast_in_dim3A_147 = vector.shape_cast %reduce_sum3A_146 : vector<8x32xf32> to vector<8x32x1xf32>
    %reduce_sum3A_148 = arith.constant dense<0.000000e+00> : vector<8x1xf32>
    %reduce_sum3A_149 = vector.multi_reduction <add>, %broadcast_in_dim3A_147, %reduce_sum3A_148 [1] : vector<8x32x1xf32> to vector<8x1xf32>
    %broadcast_in_dim3A_150 = vector.shape_cast %reduce_sum3A_149 : vector<8x1xf32> to vector<8x1x1xf32>
    %not3A_151 = arith.constant dense<true> : vector<8x1x1xi1>
    %not3A_152 = arith.xori %or3A_126, %not3A_151 : vector<8x1x1xi1>
    %le3A_153 = arith.cmpf ole, %sub3A_125, %broadcast_in_dim3A_150 : vector<8x1x1xf32>
    %and3A_154 = arith.andi %not3A_152, %le3A_153 : vector<8x1x1xi1>
    %select_n3A_155 = arith.select %and3A_154, %broadcast_in_dim3A_137, %select_n3A_124 : vector<8x1x1xi1>, vector<8x1x1xf32>
    %ge3A = vector.broadcast %select_n3A_155 : vector<8x1x1xf32> to vector<8x32x128xf32>
    %ge3A_156 = arith.cmpf oge, %concatenate3A, %ge3A : vector<8x32x128xf32>
    %jit3A_157 = arith.constant 1.000000e+00 : f32
    %jit3A_158 = arith.constant 0.000000e+00 : f32
    %broadcast_in_dim3A_159 = vector.broadcast %jit3A_157 : f32 to vector<8x32x128xf32>
    %broadcast_in_dim3A_160 = vector.broadcast %jit3A_158 : f32 to vector<8x32x128xf32>
    %select_n3A_161 = arith.select %ge3A_156, %broadcast_in_dim3A_159, %broadcast_in_dim3A_160 : vector<8x32x128xi1>, vector<8x32x128xf32>
    %reduce_sum3A_162 = arith.constant dense<0.000000e+00> : vector<32x128xf32>
    %reduce_sum3A_163 = vector.multi_reduction <add>, %select_n3A_161, %reduce_sum3A_162 [0] : vector<8x32x128xf32> to vector<32x128xf32>
    %iota3A = tpu.iota {dimensions = array<i32: 0>} : vector<128x128xi32>
    %iota3A_164 = tpu.iota {dimensions = array<i32: 1>} : vector<128x128xi32>
    %le3A_165 = arith.cmpi sle, %iota3A, %iota3A_164 : vector<128x128xi32>
    %convert_element_type3A = arith.extui %le3A_165 : vector<128x128xi1> to vector<128x128xi32>
    %convert_element_type3A_166 = arith.sitofp %convert_element_type3A : vector<128x128xi32> to vector<128x128xf32>
    %iota3A_167 = tpu.iota {dimensions = array<i32: 0>} : vector<32x32xi32>
    %iota3A_168 = tpu.iota {dimensions = array<i32: 1>} : vector<32x32xi32>
    %gt3A = arith.cmpi sgt, %iota3A_167, %iota3A_168 : vector<32x32xi32>
    %convert_element_type3A_169 = arith.extui %gt3A : vector<32x32xi1> to vector<32x32xi32>
    %convert_element_type3A_170 = arith.sitofp %convert_element_type3A_169 : vector<32x32xi32> to vector<32x32xf32>
    %broadcast_in_dim3A_171 = arith.constant 0.000000e+00 : f32
    %broadcast_in_dim3A_172 = vector.broadcast %broadcast_in_dim3A_171 : f32 to vector<32x128xf32>
    %eq3A_173 = arith.constant 8.000000e+00 : f32
    %eq3A_174 = vector.broadcast %eq3A_173 : f32 to vector<32x128xf32>
    %eq3A_175 = arith.cmpf oeq, %reduce_sum3A_163, %eq3A_174 : vector<32x128xf32>
    %convert_element_type3A_176 = arith.extui %eq3A_175 : vector<32x128xi1> to vector<32x128xi32>
    %convert_element_type3A_177 = arith.sitofp %convert_element_type3A_176 : vector<32x128xi32> to vector<32x128xf32>
    %dot_general3A = arith.constant dense<0.000000e+00> : vector<32x128xf32>
    %dot_general3A_178 = tpu.matmul %convert_element_type3A_177, %convert_element_type3A_166, %dot_general3A {dimension_numbers = #tpu.dot_dimension_numbers<[1], [0], [0], [1], [0, 0, 1, 1], [], []>, transpose_lhs_hint = false} : vector<32x128xf32>, vector<128x128xf32>, vector<32x128xf32> -> vector<32x128xf32>
    %dot_general3A_179 = arith.constant dense<0.000000e+00> : vector<32x128xf32>
    %dot_general3A_180 = tpu.matmul %convert_element_type3A_170, %convert_element_type3A_177, %dot_general3A_179 {dimension_numbers = #tpu.dot_dimension_numbers<[1], [0], [0], [1], [0, 0, 1, 1], [], []>, transpose_lhs_hint = false} : vector<32x32xf32>, vector<32x128xf32>, vector<32x128xf32> -> vector<32x128xf32>
    %reduce_sum3A_181 = arith.constant dense<0.000000e+00> : vector<32xf32>
    %reduce_sum3A_182 = vector.multi_reduction <add>, %dot_general3A_180, %reduce_sum3A_181 [1] : vector<32x128xf32> to vector<32xf32>
    %broadcast_in_dim3A_183 = vector.shape_cast %reduce_sum3A_182 : vector<32xf32> to vector<32x1xf32>
    %sub3A_184 = arith.subf %dot_general3A_178, %convert_element_type3A_177 : vector<32x128xf32>
    %add3A = vector.broadcast %broadcast_in_dim3A_183 : vector<32x1xf32> to vector<32x128xf32>
    %add3A_185 = arith.addf %sub3A_184, %add3A : vector<32x128xf32>
    %add3A_186 = arith.constant 0.000000e+00 : f32
    %add3A_187 = vector.broadcast %add3A_186 : f32 to vector<32x128xf32>
    %add3A_188 = arith.addf %add3A_187, %add3A_185 : vector<32x128xf32>
    %mul3A = arith.mulf %convert_element_type3A_177, %add3A_188 : vector<32x128xf32>
    %add3A_189 = arith.addf %broadcast_in_dim3A_172, %mul3A : vector<32x128xf32>
    %reduce_sum3A_190 = vector.shape_cast %convert_element_type3A_177 : vector<32x128xf32> to vector<1x32x128xf32>
    %reduce_sum3A_191 = arith.constant dense<0.000000e+00> : vector<1xf32>
    %reduce_sum3A_192 = vector.multi_reduction <add>, %reduce_sum3A_190, %reduce_sum3A_191 [1, 2] : vector<1x32x128xf32> to vector<1xf32>
    %reduce_sum3A_193 = vector.shape_cast %reduce_sum3A_192 : vector<1xf32> to vector<1x1x1xf32>
    %reduce_sum3A_194 = vector.extract %reduce_sum3A_193[0, 0, 0] : f32 from vector<1x1x1xf32>
    %add3A_195 = arith.constant 0.000000e+00 : f32
    %add3A_196 = arith.addf %add3A_195, %reduce_sum3A_194 : f32
    %eq3A_197 = arith.constant 7.000000e+00 : f32
    %eq3A_198 = vector.broadcast %eq3A_197 : f32 to vector<32x128xf32>
    %eq3A_199 = arith.cmpf oeq, %reduce_sum3A_163, %eq3A_198 : vector<32x128xf32>
    %convert_element_type3A_200 = arith.extui %eq3A_199 : vector<32x128xi1> to vector<32x128xi32>
    %convert_element_type3A_201 = arith.sitofp %convert_element_type3A_200 : vector<32x128xi32> to vector<32x128xf32>
    %dot_general3A_202 = arith.constant dense<0.000000e+00> : vector<32x128xf32>
    %dot_general3A_203 = tpu.matmul %convert_element_type3A_201, %convert_element_type3A_166, %dot_general3A_202 {dimension_numbers = #tpu.dot_dimension_numbers<[1], [0], [0], [1], [0, 0, 1, 1], [], []>, transpose_lhs_hint = false} : vector<32x128xf32>, vector<128x128xf32>, vector<32x128xf32> -> vector<32x128xf32>
    %dot_general3A_204 = arith.constant dense<0.000000e+00> : vector<32x128xf32>
    %dot_general3A_205 = tpu.matmul %convert_element_type3A_170, %convert_element_type3A_201, %dot_general3A_204 {dimension_numbers = #tpu.dot_dimension_numbers<[1], [0], [0], [1], [0, 0, 1, 1], [], []>, transpose_lhs_hint = false} : vector<32x32xf32>, vector<32x128xf32>, vector<32x128xf32> -> vector<32x128xf32>
    %reduce_sum3A_206 = arith.constant dense<0.000000e+00> : vector<32xf32>
    %reduce_sum3A_207 = vector.multi_reduction <add>, %dot_general3A_205, %reduce_sum3A_206 [1] : vector<32x128xf32> to vector<32xf32>
    %broadcast_in_dim3A_208 = vector.shape_cast %reduce_sum3A_207 : vector<32xf32> to vector<32x1xf32>
    %sub3A_209 = arith.subf %dot_general3A_203, %convert_element_type3A_201 : vector<32x128xf32>
    %add3A_210 = vector.broadcast %broadcast_in_dim3A_208 : vector<32x1xf32> to vector<32x128xf32>
    %add3A_211 = arith.addf %sub3A_209, %add3A_210 : vector<32x128xf32>
    %add3A_212 = vector.broadcast %add3A_196 : f32 to vector<32x128xf32>
    %add3A_213 = arith.addf %add3A_212, %add3A_211 : vector<32x128xf32>
    %mul3A_214 = arith.mulf %convert_element_type3A_201, %add3A_213 : vector<32x128xf32>
    %add3A_215 = arith.addf %add3A_189, %mul3A_214 : vector<32x128xf32>
    %reduce_sum3A_216 = vector.shape_cast %convert_element_type3A_201 : vector<32x128xf32> to vector<1x32x128xf32>
    %reduce_sum3A_217 = arith.constant dense<0.000000e+00> : vector<1xf32>
    %reduce_sum3A_218 = vector.multi_reduction <add>, %reduce_sum3A_216, %reduce_sum3A_217 [1, 2] : vector<1x32x128xf32> to vector<1xf32>
    %reduce_sum3A_219 = vector.shape_cast %reduce_sum3A_218 : vector<1xf32> to vector<1x1x1xf32>
    %reduce_sum3A_220 = vector.extract %reduce_sum3A_219[0, 0, 0] : f32 from vector<1x1x1xf32>
    %add3A_221 = arith.addf %add3A_196, %reduce_sum3A_220 : f32
    %eq3A_222 = arith.constant 6.000000e+00 : f32
    %eq3A_223 = vector.broadcast %eq3A_222 : f32 to vector<32x128xf32>
    %eq3A_224 = arith.cmpf oeq, %reduce_sum3A_163, %eq3A_223 : vector<32x128xf32>
    %convert_element_type3A_225 = arith.extui %eq3A_224 : vector<32x128xi1> to vector<32x128xi32>
    %convert_element_type3A_226 = arith.sitofp %convert_element_type3A_225 : vector<32x128xi32> to vector<32x128xf32>
    %dot_general3A_227 = arith.constant dense<0.000000e+00> : vector<32x128xf32>
    %dot_general3A_228 = tpu.matmul %convert_element_type3A_226, %convert_element_type3A_166, %dot_general3A_227 {dimension_numbers = #tpu.dot_dimension_numbers<[1], [0], [0], [1], [0, 0, 1, 1], [], []>, transpose_lhs_hint = false} : vector<32x128xf32>, vector<128x128xf32>, vector<32x128xf32> -> vector<32x128xf32>
    %dot_general3A_229 = arith.constant dense<0.000000e+00> : vector<32x128xf32>
    %dot_general3A_230 = tpu.matmul %convert_element_type3A_170, %convert_element_type3A_226, %dot_general3A_229 {dimension_numbers = #tpu.dot_dimension_numbers<[1], [0], [0], [1], [0, 0, 1, 1], [], []>, transpose_lhs_hint = false} : vector<32x32xf32>, vector<32x128xf32>, vector<32x128xf32> -> vector<32x128xf32>
    %reduce_sum3A_231 = arith.constant dense<0.000000e+00> : vector<32xf32>
    %reduce_sum3A_232 = vector.multi_reduction <add>, %dot_general3A_230, %reduce_sum3A_231 [1] : vector<32x128xf32> to vector<32xf32>
    %broadcast_in_dim3A_233 = vector.shape_cast %reduce_sum3A_232 : vector<32xf32> to vector<32x1xf32>
    %sub3A_234 = arith.subf %dot_general3A_228, %convert_element_type3A_226 : vector<32x128xf32>
    %add3A_235 = vector.broadcast %broadcast_in_dim3A_233 : vector<32x1xf32> to vector<32x128xf32>
    %add3A_236 = arith.addf %sub3A_234, %add3A_235 : vector<32x128xf32>
    %add3A_237 = vector.broadcast %add3A_221 : f32 to vector<32x128xf32>
    %add3A_238 = arith.addf %add3A_237, %add3A_236 : vector<32x128xf32>
    %mul3A_239 = arith.mulf %convert_element_type3A_226, %add3A_238 : vector<32x128xf32>
    %add3A_240 = arith.addf %add3A_215, %mul3A_239 : vector<32x128xf32>
    %reduce_sum3A_241 = vector.shape_cast %convert_element_type3A_226 : vector<32x128xf32> to vector<1x32x128xf32>
    %reduce_sum3A_242 = arith.constant dense<0.000000e+00> : vector<1xf32>
    %reduce_sum3A_243 = vector.multi_reduction <add>, %reduce_sum3A_241, %reduce_sum3A_242 [1, 2] : vector<1x32x128xf32> to vector<1xf32>
    %reduce_sum3A_244 = vector.shape_cast %reduce_sum3A_243 : vector<1xf32> to vector<1x1x1xf32>
    %reduce_sum3A_245 = vector.extract %reduce_sum3A_244[0, 0, 0] : f32 from vector<1x1x1xf32>
    %add3A_246 = arith.addf %add3A_221, %reduce_sum3A_245 : f32
    %eq3A_247 = arith.constant 5.000000e+00 : f32
    %eq3A_248 = vector.broadcast %eq3A_247 : f32 to vector<32x128xf32>
    %eq3A_249 = arith.cmpf oeq, %reduce_sum3A_163, %eq3A_248 : vector<32x128xf32>
    %convert_element_type3A_250 = arith.extui %eq3A_249 : vector<32x128xi1> to vector<32x128xi32>
    %convert_element_type3A_251 = arith.sitofp %convert_element_type3A_250 : vector<32x128xi32> to vector<32x128xf32>
    %dot_general3A_252 = arith.constant dense<0.000000e+00> : vector<32x128xf32>
    %dot_general3A_253 = tpu.matmul %convert_element_type3A_251, %convert_element_type3A_166, %dot_general3A_252 {dimension_numbers = #tpu.dot_dimension_numbers<[1], [0], [0], [1], [0, 0, 1, 1], [], []>, transpose_lhs_hint = false} : vector<32x128xf32>, vector<128x128xf32>, vector<32x128xf32> -> vector<32x128xf32>
    %dot_general3A_254 = arith.constant dense<0.000000e+00> : vector<32x128xf32>
    %dot_general3A_255 = tpu.matmul %convert_element_type3A_170, %convert_element_type3A_251, %dot_general3A_254 {dimension_numbers = #tpu.dot_dimension_numbers<[1], [0], [0], [1], [0, 0, 1, 1], [], []>, transpose_lhs_hint = false} : vector<32x32xf32>, vector<32x128xf32>, vector<32x128xf32> -> vector<32x128xf32>
    %reduce_sum3A_256 = arith.constant dense<0.000000e+00> : vector<32xf32>
    %reduce_sum3A_257 = vector.multi_reduction <add>, %dot_general3A_255, %reduce_sum3A_256 [1] : vector<32x128xf32> to vector<32xf32>
    %broadcast_in_dim3A_258 = vector.shape_cast %reduce_sum3A_257 : vector<32xf32> to vector<32x1xf32>
    %sub3A_259 = arith.subf %dot_general3A_253, %convert_element_type3A_251 : vector<32x128xf32>
    %add3A_260 = vector.broadcast %broadcast_in_dim3A_258 : vector<32x1xf32> to vector<32x128xf32>
    %add3A_261 = arith.addf %sub3A_259, %add3A_260 : vector<32x128xf32>
    %add3A_262 = vector.broadcast %add3A_246 : f32 to vector<32x128xf32>
    %add3A_263 = arith.addf %add3A_262, %add3A_261 : vector<32x128xf32>
    %mul3A_264 = arith.mulf %convert_element_type3A_251, %add3A_263 : vector<32x128xf32>
    %add3A_265 = arith.addf %add3A_240, %mul3A_264 : vector<32x128xf32>
    %reduce_sum3A_266 = vector.shape_cast %convert_element_type3A_251 : vector<32x128xf32> to vector<1x32x128xf32>
    %reduce_sum3A_267 = arith.constant dense<0.000000e+00> : vector<1xf32>
    %reduce_sum3A_268 = vector.multi_reduction <add>, %reduce_sum3A_266, %reduce_sum3A_267 [1, 2] : vector<1x32x128xf32> to vector<1xf32>
    %reduce_sum3A_269 = vector.shape_cast %reduce_sum3A_268 : vector<1xf32> to vector<1x1x1xf32>
    %reduce_sum3A_270 = vector.extract %reduce_sum3A_269[0, 0, 0] : f32 from vector<1x1x1xf32>
    %add3A_271 = arith.addf %add3A_246, %reduce_sum3A_270 : f32
    %eq3A_272 = arith.constant 4.000000e+00 : f32
    %eq3A_273 = vector.broadcast %eq3A_272 : f32 to vector<32x128xf32>
    %eq3A_274 = arith.cmpf oeq, %reduce_sum3A_163, %eq3A_273 : vector<32x128xf32>
    %convert_element_type3A_275 = arith.extui %eq3A_274 : vector<32x128xi1> to vector<32x128xi32>
    %convert_element_type3A_276 = arith.sitofp %convert_element_type3A_275 : vector<32x128xi32> to vector<32x128xf32>
    %dot_general3A_277 = arith.constant dense<0.000000e+00> : vector<32x128xf32>
    %dot_general3A_278 = tpu.matmul %convert_element_type3A_276, %convert_element_type3A_166, %dot_general3A_277 {dimension_numbers = #tpu.dot_dimension_numbers<[1], [0], [0], [1], [0, 0, 1, 1], [], []>, transpose_lhs_hint = false} : vector<32x128xf32>, vector<128x128xf32>, vector<32x128xf32> -> vector<32x128xf32>
    %dot_general3A_279 = arith.constant dense<0.000000e+00> : vector<32x128xf32>
    %dot_general3A_280 = tpu.matmul %convert_element_type3A_170, %convert_element_type3A_276, %dot_general3A_279 {dimension_numbers = #tpu.dot_dimension_numbers<[1], [0], [0], [1], [0, 0, 1, 1], [], []>, transpose_lhs_hint = false} : vector<32x32xf32>, vector<32x128xf32>, vector<32x128xf32> -> vector<32x128xf32>
    %reduce_sum3A_281 = arith.constant dense<0.000000e+00> : vector<32xf32>
    %reduce_sum3A_282 = vector.multi_reduction <add>, %dot_general3A_280, %reduce_sum3A_281 [1] : vector<32x128xf32> to vector<32xf32>
    %broadcast_in_dim3A_283 = vector.shape_cast %reduce_sum3A_282 : vector<32xf32> to vector<32x1xf32>
    %sub3A_284 = arith.subf %dot_general3A_278, %convert_element_type3A_276 : vector<32x128xf32>
    %add3A_285 = vector.broadcast %broadcast_in_dim3A_283 : vector<32x1xf32> to vector<32x128xf32>
    %add3A_286 = arith.addf %sub3A_284, %add3A_285 : vector<32x128xf32>
    %add3A_287 = vector.broadcast %add3A_271 : f32 to vector<32x128xf32>
    %add3A_288 = arith.addf %add3A_287, %add3A_286 : vector<32x128xf32>
    %mul3A_289 = arith.mulf %convert_element_type3A_276, %add3A_288 : vector<32x128xf32>
    %add3A_290 = arith.addf %add3A_265, %mul3A_289 : vector<32x128xf32>
    %reduce_sum3A_291 = vector.shape_cast %convert_element_type3A_276 : vector<32x128xf32> to vector<1x32x128xf32>
    %reduce_sum3A_292 = arith.constant dense<0.000000e+00> : vector<1xf32>
    %reduce_sum3A_293 = vector.multi_reduction <add>, %reduce_sum3A_291, %reduce_sum3A_292 [1, 2] : vector<1x32x128xf32> to vector<1xf32>
    %reduce_sum3A_294 = vector.shape_cast %reduce_sum3A_293 : vector<1xf32> to vector<1x1x1xf32>
    %reduce_sum3A_295 = vector.extract %reduce_sum3A_294[0, 0, 0] : f32 from vector<1x1x1xf32>
    %add3A_296 = arith.addf %add3A_271, %reduce_sum3A_295 : f32
    %eq3A_297 = arith.constant 3.000000e+00 : f32
    %eq3A_298 = vector.broadcast %eq3A_297 : f32 to vector<32x128xf32>
    %eq3A_299 = arith.cmpf oeq, %reduce_sum3A_163, %eq3A_298 : vector<32x128xf32>
    %convert_element_type3A_300 = arith.extui %eq3A_299 : vector<32x128xi1> to vector<32x128xi32>
    %convert_element_type3A_301 = arith.sitofp %convert_element_type3A_300 : vector<32x128xi32> to vector<32x128xf32>
    %dot_general3A_302 = arith.constant dense<0.000000e+00> : vector<32x128xf32>
    %dot_general3A_303 = tpu.matmul %convert_element_type3A_301, %convert_element_type3A_166, %dot_general3A_302 {dimension_numbers = #tpu.dot_dimension_numbers<[1], [0], [0], [1], [0, 0, 1, 1], [], []>, transpose_lhs_hint = false} : vector<32x128xf32>, vector<128x128xf32>, vector<32x128xf32> -> vector<32x128xf32>
    %dot_general3A_304 = arith.constant dense<0.000000e+00> : vector<32x128xf32>
    %dot_general3A_305 = tpu.matmul %convert_element_type3A_170, %convert_element_type3A_301, %dot_general3A_304 {dimension_numbers = #tpu.dot_dimension_numbers<[1], [0], [0], [1], [0, 0, 1, 1], [], []>, transpose_lhs_hint = false} : vector<32x32xf32>, vector<32x128xf32>, vector<32x128xf32> -> vector<32x128xf32>
    %reduce_sum3A_306 = arith.constant dense<0.000000e+00> : vector<32xf32>
    %reduce_sum3A_307 = vector.multi_reduction <add>, %dot_general3A_305, %reduce_sum3A_306 [1] : vector<32x128xf32> to vector<32xf32>
    %broadcast_in_dim3A_308 = vector.shape_cast %reduce_sum3A_307 : vector<32xf32> to vector<32x1xf32>
    %sub3A_309 = arith.subf %dot_general3A_303, %convert_element_type3A_301 : vector<32x128xf32>
    %add3A_310 = vector.broadcast %broadcast_in_dim3A_308 : vector<32x1xf32> to vector<32x128xf32>
    %add3A_311 = arith.addf %sub3A_309, %add3A_310 : vector<32x128xf32>
    %add3A_312 = vector.broadcast %add3A_296 : f32 to vector<32x128xf32>
    %add3A_313 = arith.addf %add3A_312, %add3A_311 : vector<32x128xf32>
    %mul3A_314 = arith.mulf %convert_element_type3A_301, %add3A_313 : vector<32x128xf32>
    %add3A_315 = arith.addf %add3A_290, %mul3A_314 : vector<32x128xf32>
    %reduce_sum3A_316 = vector.shape_cast %convert_element_type3A_301 : vector<32x128xf32> to vector<1x32x128xf32>
    %reduce_sum3A_317 = arith.constant dense<0.000000e+00> : vector<1xf32>
    %reduce_sum3A_318 = vector.multi_reduction <add>, %reduce_sum3A_316, %reduce_sum3A_317 [1, 2] : vector<1x32x128xf32> to vector<1xf32>
    %reduce_sum3A_319 = vector.shape_cast %reduce_sum3A_318 : vector<1xf32> to vector<1x1x1xf32>
    %reduce_sum3A_320 = vector.extract %reduce_sum3A_319[0, 0, 0] : f32 from vector<1x1x1xf32>
    %add3A_321 = arith.addf %add3A_296, %reduce_sum3A_320 : f32
    %eq3A_322 = arith.constant 2.000000e+00 : f32
    %eq3A_323 = vector.broadcast %eq3A_322 : f32 to vector<32x128xf32>
    %eq3A_324 = arith.cmpf oeq, %reduce_sum3A_163, %eq3A_323 : vector<32x128xf32>
    %convert_element_type3A_325 = arith.extui %eq3A_324 : vector<32x128xi1> to vector<32x128xi32>
    %convert_element_type3A_326 = arith.sitofp %convert_element_type3A_325 : vector<32x128xi32> to vector<32x128xf32>
    %dot_general3A_327 = arith.constant dense<0.000000e+00> : vector<32x128xf32>
    %dot_general3A_328 = tpu.matmul %convert_element_type3A_326, %convert_element_type3A_166, %dot_general3A_327 {dimension_numbers = #tpu.dot_dimension_numbers<[1], [0], [0], [1], [0, 0, 1, 1], [], []>, transpose_lhs_hint = false} : vector<32x128xf32>, vector<128x128xf32>, vector<32x128xf32> -> vector<32x128xf32>
    %dot_general3A_329 = arith.constant dense<0.000000e+00> : vector<32x128xf32>
    %dot_general3A_330 = tpu.matmul %convert_element_type3A_170, %convert_element_type3A_326, %dot_general3A_329 {dimension_numbers = #tpu.dot_dimension_numbers<[1], [0], [0], [1], [0, 0, 1, 1], [], []>, transpose_lhs_hint = false} : vector<32x32xf32>, vector<32x128xf32>, vector<32x128xf32> -> vector<32x128xf32>
    %reduce_sum3A_331 = arith.constant dense<0.000000e+00> : vector<32xf32>
    %reduce_sum3A_332 = vector.multi_reduction <add>, %dot_general3A_330, %reduce_sum3A_331 [1] : vector<32x128xf32> to vector<32xf32>
    %broadcast_in_dim3A_333 = vector.shape_cast %reduce_sum3A_332 : vector<32xf32> to vector<32x1xf32>
    %sub3A_334 = arith.subf %dot_general3A_328, %convert_element_type3A_326 : vector<32x128xf32>
    %add3A_335 = vector.broadcast %broadcast_in_dim3A_333 : vector<32x1xf32> to vector<32x128xf32>
    %add3A_336 = arith.addf %sub3A_334, %add3A_335 : vector<32x128xf32>
    %add3A_337 = vector.broadcast %add3A_321 : f32 to vector<32x128xf32>
    %add3A_338 = arith.addf %add3A_337, %add3A_336 : vector<32x128xf32>
    %mul3A_339 = arith.mulf %convert_element_type3A_326, %add3A_338 : vector<32x128xf32>
    %add3A_340 = arith.addf %add3A_315, %mul3A_339 : vector<32x128xf32>
    %reduce_sum3A_341 = vector.shape_cast %convert_element_type3A_326 : vector<32x128xf32> to vector<1x32x128xf32>
    %reduce_sum3A_342 = arith.constant dense<0.000000e+00> : vector<1xf32>
    %reduce_sum3A_343 = vector.multi_reduction <add>, %reduce_sum3A_341, %reduce_sum3A_342 [1, 2] : vector<1x32x128xf32> to vector<1xf32>
    %reduce_sum3A_344 = vector.shape_cast %reduce_sum3A_343 : vector<1xf32> to vector<1x1x1xf32>
    %reduce_sum3A_345 = vector.extract %reduce_sum3A_344[0, 0, 0] : f32 from vector<1x1x1xf32>
    %add3A_346 = arith.addf %add3A_321, %reduce_sum3A_345 : f32
    %eq3A_347 = arith.constant 1.000000e+00 : f32
    %eq3A_348 = vector.broadcast %eq3A_347 : f32 to vector<32x128xf32>
    %eq3A_349 = arith.cmpf oeq, %reduce_sum3A_163, %eq3A_348 : vector<32x128xf32>
    %convert_element_type3A_350 = arith.extui %eq3A_349 : vector<32x128xi1> to vector<32x128xi32>
    %convert_element_type3A_351 = arith.sitofp %convert_element_type3A_350 : vector<32x128xi32> to vector<32x128xf32>
    %dot_general3A_352 = arith.constant dense<0.000000e+00> : vector<32x128xf32>
    %dot_general3A_353 = tpu.matmul %convert_element_type3A_351, %convert_element_type3A_166, %dot_general3A_352 {dimension_numbers = #tpu.dot_dimension_numbers<[1], [0], [0], [1], [0, 0, 1, 1], [], []>, transpose_lhs_hint = false} : vector<32x128xf32>, vector<128x128xf32>, vector<32x128xf32> -> vector<32x128xf32>
    %dot_general3A_354 = arith.constant dense<0.000000e+00> : vector<32x128xf32>
    %dot_general3A_355 = tpu.matmul %convert_element_type3A_170, %convert_element_type3A_351, %dot_general3A_354 {dimension_numbers = #tpu.dot_dimension_numbers<[1], [0], [0], [1], [0, 0, 1, 1], [], []>, transpose_lhs_hint = false} : vector<32x32xf32>, vector<32x128xf32>, vector<32x128xf32> -> vector<32x128xf32>
    %reduce_sum3A_356 = arith.constant dense<0.000000e+00> : vector<32xf32>
    %reduce_sum3A_357 = vector.multi_reduction <add>, %dot_general3A_355, %reduce_sum3A_356 [1] : vector<32x128xf32> to vector<32xf32>
    %broadcast_in_dim3A_358 = vector.shape_cast %reduce_sum3A_357 : vector<32xf32> to vector<32x1xf32>
    %sub3A_359 = arith.subf %dot_general3A_353, %convert_element_type3A_351 : vector<32x128xf32>
    %add3A_360 = vector.broadcast %broadcast_in_dim3A_358 : vector<32x1xf32> to vector<32x128xf32>
    %add3A_361 = arith.addf %sub3A_359, %add3A_360 : vector<32x128xf32>
    %add3A_362 = vector.broadcast %add3A_346 : f32 to vector<32x128xf32>
    %add3A_363 = arith.addf %add3A_362, %add3A_361 : vector<32x128xf32>
    %mul3A_364 = arith.mulf %convert_element_type3A_351, %add3A_363 : vector<32x128xf32>
    %add3A_365 = arith.addf %add3A_340, %mul3A_364 : vector<32x128xf32>
    %reduce_sum3A_366 = vector.shape_cast %convert_element_type3A_351 : vector<32x128xf32> to vector<1x32x128xf32>
    %reduce_sum3A_367 = arith.constant dense<0.000000e+00> : vector<1xf32>
    %reduce_sum3A_368 = vector.multi_reduction <add>, %reduce_sum3A_366, %reduce_sum3A_367 [1, 2] : vector<1x32x128xf32> to vector<1xf32>
    %reduce_sum3A_369 = vector.shape_cast %reduce_sum3A_368 : vector<1xf32> to vector<1x1x1xf32>
    %reduce_sum3A_370 = vector.extract %reduce_sum3A_369[0, 0, 0] : f32 from vector<1x1x1xf32>
    %add3A_371 = arith.addf %add3A_346, %reduce_sum3A_370 : f32
    %eq3A_372 = arith.constant 0.000000e+00 : f32
    %eq3A_373 = vector.broadcast %eq3A_372 : f32 to vector<32x128xf32>
    %eq3A_374 = arith.cmpf oeq, %reduce_sum3A_163, %eq3A_373 : vector<32x128xf32>
    %convert_element_type3A_375 = arith.extui %eq3A_374 : vector<32x128xi1> to vector<32x128xi32>
    %convert_element_type3A_376 = arith.sitofp %convert_element_type3A_375 : vector<32x128xi32> to vector<32x128xf32>
    %dot_general3A_377 = arith.constant dense<0.000000e+00> : vector<32x128xf32>
    %dot_general3A_378 = tpu.matmul %convert_element_type3A_376, %convert_element_type3A_166, %dot_general3A_377 {dimension_numbers = #tpu.dot_dimension_numbers<[1], [0], [0], [1], [0, 0, 1, 1], [], []>, transpose_lhs_hint = false} : vector<32x128xf32>, vector<128x128xf32>, vector<32x128xf32> -> vector<32x128xf32>
    %dot_general3A_379 = arith.constant dense<0.000000e+00> : vector<32x128xf32>
    %dot_general3A_380 = tpu.matmul %convert_element_type3A_170, %convert_element_type3A_376, %dot_general3A_379 {dimension_numbers = #tpu.dot_dimension_numbers<[1], [0], [0], [1], [0, 0, 1, 1], [], []>, transpose_lhs_hint = false} : vector<32x32xf32>, vector<32x128xf32>, vector<32x128xf32> -> vector<32x128xf32>
    %reduce_sum3A_381 = arith.constant dense<0.000000e+00> : vector<32xf32>
    %reduce_sum3A_382 = vector.multi_reduction <add>, %dot_general3A_380, %reduce_sum3A_381 [1] : vector<32x128xf32> to vector<32xf32>
    %broadcast_in_dim3A_383 = vector.shape_cast %reduce_sum3A_382 : vector<32xf32> to vector<32x1xf32>
    %sub3A_384 = arith.subf %dot_general3A_378, %convert_element_type3A_376 : vector<32x128xf32>
    %add3A_385 = vector.broadcast %broadcast_in_dim3A_383 : vector<32x1xf32> to vector<32x128xf32>
    %add3A_386 = arith.addf %sub3A_384, %add3A_385 : vector<32x128xf32>
    %add3A_387 = vector.broadcast %add3A_371 : f32 to vector<32x128xf32>
    %add3A_388 = arith.addf %add3A_387, %add3A_386 : vector<32x128xf32>
    %mul3A_389 = arith.mulf %convert_element_type3A_376, %add3A_388 : vector<32x128xf32>
    %add3A_390 = arith.addf %add3A_365, %mul3A_389 : vector<32x128xf32>
    %convert_element_type3A_391 = arith.fptosi %add3A_390 : vector<32x128xf32> to vector<32x128xi32>
    %swap3A = arith.constant 0 : index
    %swap3A_392 = arith.constant 0 : index
    %swap3A_393 = vector.load %arg2[%swap3A, %swap3A_392] : memref<32x128xi32, #tpu.memory_space<vmem>>, vector<32x128xi32>
    tpu.vector_store %arg2[%swap3A, %swap3A_392], %convert_element_type3A_391 {strides = array<i32>} : memref<32x128xi32, #tpu.memory_space<vmem>>, vector<32x128xi32>,
    return
  }
}

</mosaic_0001>

<sc_bundles>
// kernel: kernel.4.cloned.1.call-start
scs
__scs_entry_jumppad:
0x0: {  	(pc) =	sbr.rel $0x88, $3  }
0x1: {  	(tag) =	ssettag $0x0;
	lr =	simm.s32 $0x1  }
0x2: {  	[smem:$0x3F9E] =	sst lr;
	_ =	strace $0xD0000000  }
0x3: {  	_ = 	snop  }
0x4: {  	_ = 	snop  }
0x5: {  	_ = 	snop  }
0x6: {  	_ = 	snop  }
0x7: {  	_ = 	snop  }
__scs_overlays_trampoline_lowered:
0x8: {  	[smem:$0x3FAD] =	sst s0  }
0x9: {  	[smem:$0x3FAE] =	sst s1  }
0xa: {  	[smem:$0x3FAF] =	sst s2  }
0xb: {  	[smem:$0x3FB0] =	sst s3  }
0xc: {  	[smem:$0x3FB1] =	sst s4  }
0xd: {  	[smem:$0x3FB2] =	sst s5  }
0xe: {  	[smem:$0x3FB3] =	sst s6  }
0xf: {  	[smem:$0x3FB4] =	sst s7  }
0x10: {  	[smem:$0x3FB5] =	sst s8  }
0x11: {  	[smem:$0x3FB6] =	sst s9;
	s0 =	simm.s32 @!p0 $0x0  }
0x12: {  	s1 =	sld [smem:$0x3F9C];
	s0 =	simm.s32 @p0 $0x1  }
0x13: {  	[smem:$0x3FB7] =	sst s0;
	s0 =	simm.s32 @!p1 $0x0  }
0x14: {  	s2 =	sld [smem:$0x3F9B];
	s0 =	simm.s32 @p1 $0x1  }
0x15: {  	[smem:$0x3FB8] =	sst s0;
	s0 =	simm.s32 @!p2 $0x0  }
0x16: {  	s3 =	sld [smem:$0x3FDB];
	s0 =	simm.s32 @p2 $0x1  }
0x17: {  	s4 =	simm.s32 $0x1BF5;
	[smem:$0x3FBA] =	sst s0  }
0x18: {  	s0 =	sld [smem:$0x3F9D];
	_ =	swait.ge [sflag:s4], $0x0  }
0x19: {  	s7 =	sld [smem:$0x3F9E]  }
0x1a: {  	s8 =	sadd.s32 $0xFFFFE003, lr  }
0x1b: {  	s9 =	sadd.s32 $0xFFFFFEF7, lr;
	s5 =	simm.s32 $0xFFFFFFFF;
	p2 =	slt.u32 s8, $0xFFFFF086  }
0x1c: {  	p1 =	slt.u32 s9, $0xF7A;
	s5 =	simm.s32 @!p2 $0x0  }
0x1d: {  	s5 =	simm.s32 @p1 $0x1;
	p0 =	seq.s32 s7, s2  }
0x1e: {  	s7 =	smul.u32 @!p0 $0xF7A, s2;
	p2 =	seq.s32 @!p0 s5, $0x0  }
0x1f: {  	s9 =	smul.u32 $0xF7A, s1;
	s8 =	simm.s32 @!p0 $0x1BF5;
	p2 =	por !p2, p0  }
0x20: {  	[sflag:s8] =	ssyncset.s32 @!p0 $0xFFFFF086;
	s6 =	sadd.s32 @!p0 s3, s7;
	s7 =	simm.s32 @!p0 $0x108  }
0x21: {  	s3 =	sadd.s32 s3, s9;
	s6 =	sadd.s32 @!p0 $0x88, s6;
	s7 =	simm.s32 @p2 $0x1082  }
0x22: {  	[simem:s7], [sflag:s8] =	dma.local @!p0 [hbm:s6], $0xF7A  }
0x23: {  	s9 =	sor.u32 $0xD0000000, s2;
	s6 =	simm.s32 $0x108;
	_ =	swait.ge @!p0 [sflag:s8], $0x0  }
0x24: {  	s3 =	sadd.s32 $0x88, s3;
	s6 =	simm.s32 @!p1 $0x1082;
	[sflag:s4] =	ssyncset.s32 $0xFFFFF086  }
0x25: {  	[simem:s6], [sflag:s4] =	dma.local [hbm:s3], $0xF7A  }
0x26: {  	[smem:$0x3F9E] =	sst s1;
	(tag) =	ssettag s2;
	_ =	strace s9  }
0x27: {  	s1 =	sld [smem:$0x3FAE]  }
0x28: {  	s2 =	sld [smem:$0x3FAF]  }
0x29: {  	s4 =	sld [smem:$0x3FB1]  }
0x2a: {  	p0 =	seq.s32 s5, $0x0;
	s5 =	sld [smem:$0x3FB2]  }
0x2b: {  	s6 =	sld [smem:$0x3FB3]  }
0x2c: {  	s7 =	sld [smem:$0x3FB4]  }
0x2d: {  	s3 =	simm.s32 $0x108;
	s8 =	sld [smem:$0x3FB5]  }
0x2e: {  	s3 =	simm.s32 @!p0 $0x1082;
	s9 =	sld [smem:$0x3FB6]  }
0x2f: {  	lr =	sadd.s32 s0, s3;
	s0 =	sld [smem:$0x3FAD]  }
0x30: {  	s3 =	sld [smem:$0x3FB0]  }
0x31: {  	[smem:$0x3FB9] =	sst s10  }
0x32: {  	s10 =	sld [smem:$0x3FB7];
	_ =	sdelay $0x3  }
0x33: {  	p0 =	seq.s32 s10, $0x1;
	s10 =	sld [smem:$0x3FB9];
	_ =	sdelay $0x3  }
0x34: {  	[smem:$0x3FB9] =	sst s10  }
0x35: {  	s10 =	sld [smem:$0x3FB8];
	_ =	sdelay $0x3  }
0x36: {  	p1 =	seq.s32 s10, $0x1;
	s10 =	sld [smem:$0x3FB9];
	_ =	sdelay $0x3  }
0x37: {  	[smem:$0x3FB9] =	sst s10  }
0x38: {  	s10 =	sld [smem:$0x3FBA]  }
0x39: {  	_ = 	snop;
	(pc) =	sbr.ind lr, $3  }
0x3a: {  	_ = 	snop  }
0x3b: {  	_ = 	snop  }
0x3c: {  	p2 =	seq.s32 s10, $0x1;
	s10 =	sld [smem:$0x3FB9]  }
0x3d: {  	_ =	shalt  }
0x3e: {  	_ =	shalt  }
0x3f: {  	_ =	shalt  }
0x40: {  	_ =	shalt  }
0x41: {  	_ =	shalt  }
0x42: {  	_ =	shalt  }
0x43: {  	_ =	shalt  }
0x44: {  	_ =	shalt  }
0x45: {  	_ =	shalt  }
0x46: {  	_ =	shalt  }
0x47: {  	_ =	shalt  }
0x48: {  	_ =	shalt  }
0x49: {  	_ =	shalt  }
0x4a: {  	_ =	shalt  }
0x4b: {  	_ =	shalt  }
0x4c: {  	_ =	shalt  }
0x4d: {  	_ =	shalt  }
0x4e: {  	_ =	shalt  }
0x4f: {  	_ =	shalt  }
0x50: {  	_ =	shalt  }
0x51: {  	_ =	shalt  }
0x52: {  	_ =	shalt  }
0x53: {  	_ =	shalt  }
0x54: {  	_ =	shalt  }
0x55: {  	_ =	shalt  }
0x56: {  	_ =	shalt  }
0x57: {  	_ =	shalt  }
0x58: {  	_ =	shalt  }
0x59: {  	_ =	shalt  }
0x5a: {  	_ =	shalt  }
0x5b: {  	_ =	shalt  }
0x5c: {  	_ =	shalt  }
0x5d: {  	_ =	shalt  }
0x5e: {  	_ =	shalt  }
0x5f: {  	_ =	shalt  }
0x60: {  	_ =	shalt  }
0x61: {  	_ =	shalt  }
0x62: {  	_ =	shalt  }
0x63: {  	_ =	shalt  }
0x64: {  	_ =	shalt  }
0x65: {  	_ =	shalt  }
0x66: {  	_ =	shalt  }
0x67: {  	_ =	shalt  }
0x68: {  	_ =	shalt  }
0x69: {  	_ =	shalt  }
0x6a: {  	_ =	shalt  }
0x6b: {  	_ =	shalt  }
0x6c: {  	_ =	shalt  }
0x6d: {  	_ =	shalt  }
0x6e: {  	_ =	shalt  }
0x6f: {  	_ =	shalt  }
0x70: {  	_ =	shalt  }
0x71: {  	_ =	shalt  }
0x72: {  	_ =	shalt  }
0x73: {  	_ =	shalt  }
0x74: {  	_ =	shalt  }
0x75: {  	_ =	shalt  }
0x76: {  	_ =	shalt  }
0x77: {  	_ =	shalt  }
0x78: {  	_ =	shalt  }
0x79: {  	_ =	shalt  }
0x7a: {  	_ =	shalt  }
0x7b: {  	_ =	shalt  }
0x7c: {  	_ =	shalt  }
0x7d: {  	_ =	shalt  }
0x7e: {  	_ =	shalt  }
0x7f: {  	_ =	shalt  }
0x80: {  	_ =	shalt  }
0x81: {  	_ =	shalt  }
0x82: {  	_ =	shalt  }
0x83: {  	_ =	shalt  }
0x84: {  	_ =	shalt  }
0x85: {  	_ =	shalt  }
0x86: {  	_ =	shalt  }
0x87: {  	_ =	shalt  }
.Lfunc_end0:
.L_simem_size_0:
called_computation_lowered:
.L_overlay_start_0:
0x88: {  	s2 =	sld [smem:$0x3FD9]  }
0x89: {  	s3 =	sld [smem:$0x3FFE];
	_ =	sdelay $0x1  }
0x8a: {  	s1 =	srdreg.scid  }
0x8b: {  	s0 =	sand.u32 $0x1, s1  }
0x8c: {  	s14 =	sshll.u32 s0, $0xA;
	s2 =	sadd.s32 s3, s2  }
0x8d: {  	s2 =	sadd.s32 s2, s14  }
0x8e: {  	[smem:$0x3FC5] =	sst s2  }
0x8f: {  	_ = 	snop  }
0x90: {  	s2 =	sld [smem:$0x3FD0];
	_ =	sdelay $0x2  }
0x91: {  	s4 =	simm.s32 $0xA;
	s5 =	simm.s32 $0x10;
	s15 =	sld [smem:$0x3FC9]  }
0x92: {  	[smem:s5], [sflag:s4] =	dma.local [hbm:s2], $0x1  }
0x93: {  	_ =	swait.eq [sflag:s4], $0x1  }
0x94: {  	[sflag:s4] =	ssyncset.done $0x0  }
0x95: {  	s16 =	sld [smem:$0x10];
	[sflag:s4] =	ssyncadd.s32 $0xFFFFFFFF  }
0x96: {  	s17 =	sld [smem:$0x11];
	(tm) =	ssettm $0x1  }
0x97: {  	s18 =	sld [smem:$0x3FFB];
	_ =	sdelay $0x3  }
0x98: {  	_ =	strace s18  }
0x99: {  	s5 =	sld [smem:$0x3FFC];
	_ =	sdelay $0x3  }
0x9a: {  	_ =	strace s5  }
0x9b: {  	s5 =	sld [smem:$0x3FFD];
	_ =	sdelay $0x3  }
0x9c: {  	_ =	strace s5  }
0x9d: {  	_ =	strace $0x8FFFFFFF  }
0x9e: {  	s19 =	sld [smem:$0x3FDB];
	_ =	sdelay $0x1  }
0x9f: {  	s6 =	simm.s32 $_scs_section_size  }
0xa0: {  	s7 =	simm.s32 $_size__tile_overlayer_lowered;
	s8 =	simm.s32 $_tile_overlayer_lowered  }
0xa1: {  	s22 =	simm.s32 $0x1BFF;
	s21 =	sshll.u32 s8, $0x1;
	s5 =	sadd.s32 s6, s19  }
0xa2: {  	s9 =	simm.s32 $0x0;
	s20 =	sshll.u32 s7, $0x1;
	s7 =	sadd.s32 s21, s5  }
0xa3: {  	[timem:s9], [sflag:s22] =	dma.local [hbm:s7], s20  }
0xa4: {  	_ =	swait.ge [sflag:s22], s20  }
0xa5: {  	s6 =	ssub.s32 $0x0, s20;
	[sflag:s22] =	ssyncset.done $0x0  }
0xa6: {  	[sflag:s22] =	ssyncadd.s32 s6;
	_ =	sdelay $0x1  }
0xa7: {  	s23 =	simm.s32 $0x1B8B  }
0xa8: {  	_ =	swait.ge [sflag:s23], $0x1  }
0xa9: {  	[sflag:s23] =	ssyncset.done $0x0  }
0xaa: {  	s25 =	simm.s32 $0x1B8E;
	s24 =	sld [smem:$0x3FFE];
	[sflag:s23] =	ssyncadd.s32 $0xFFFFFFFF  }
0xab: {  	s26 =	simm.s32 $execute0_lowered;
	[smem:$0x3FD2] =	sst s25  }
0xac: {  	s7 =	sshll.u32 s26, $0x1;
	_ =	strace $0x80000046;
	[dreg:$0x1] =	wrdreg $0xFFFFFFFF  }
0xad: {  	s28 =	simm.s32 $_size_execute0_lowered;
	s5 =	sadd.s32 s5, s7;
	[dreg:$0x0] =	wrdreg $0x0  }
0xae: {  	s7 =	sshll.u32 s28, $0x1;
	[dreg:$0x2] =	wrdreg s5  }
0xaf: {  	[dreg:$0x3] =	wrdreg s7  }
0xb0: {  	[dreg:$0x4] =	wrdreg $0xC0  }
0xb1: {  	_ =	task [dreg:s9], $0x5FFFF  }
0xb2: {  	[dreg:$0x1] =	wrdreg $0xFFFFFFFF  }
0xb3: {  	[dreg:$0x0] =	wrdreg $0x60  }
0xb4: {  	[dreg:$0x2] =	wrdreg s24  }
0xb5: {  	[dreg:$0x3] =	wrdreg s15  }
0xb6: {  	[dreg:$0x4] =	wrdreg s17  }
0xb7: {  	[dreg:$0x5] =	wrdreg s16  }
0xb8: {  	[dreg:$0x6] =	wrdreg $0x0  }
0xb9: {  	[dreg:$0x7] =	wrdreg $0x9  }
0xba: {  	_ =	task.clear_ibuf [dreg:s9], $0x8FFFF;
	_ =	strace $0x90000046  }
0xbb: {  	s29 =	simm.s32 $0x9;
	_ =	strace $0x80000048  }
0xbc: {  	_ =	swait.ge [sflag:s29], $0x1  }
0xbd: {  	[sflag:s29] =	ssyncadd.s32 $0xFFFFFFFF  }
0xbe: {  	_ =	strace $0x90000048  }
0xbf: {  	_ =	sfence  }
0xc0: {  	s30 =	sld [smem:$0x0];
	_ =	sdelay $0x2  }
0xc1: {  	s31 =	sshll.u32 s1, $0xD;
	s1 =	sshrl.u32 s1, $0x2  }
0xc2: {  	s3 =	sand.u32 $0x4000, s31;
	s1 =	sadd.s32 s1, s30  }
0xc3: {  	s0 =	sor.u32 s3, s0;
	s1 =	sshll.u32 s1, $0x11  }
0xc4: {  	s0 =	sor.u32 s1, s0  }
0xc5: {  	s0 =	sadd.s32 $0x8F2B, s0  }
0xc6: {  	[sflag:s0] =	ssyncadd.remote.s32 $0x1  }
0xc7: {  	_ =	sfence.sel $0xFFFF  }
0xc8: {  	[dreg:$0x0] =	wrdreg $0xFFFFFFFF;
	(pc) =	sbr.abs _section_cstart, $3  }
0xc9: {  	[dreg:$0x1] =	wrdreg $0xFFFFFFFF  }
0xca: {  	_ =	task.clear_ibuf [dreg:s9], $0x2FFFF;
	_ =	strace $0x9FFFFFFF  }
0xcb: {  	(tm) =	ssettm $0x7FFFFFFF  }
tec
execute0_lowered:
.L_overlay_start_1:
0x0: {  	(tag) =	ssettag $0x1  }
0x1: {  	s0 =	rddreg [dreg:$0x0]  }
0x2: {  	s1 =	rddreg [dreg:$0x1]  }
0x3: {  	s3 =	rddreg [dreg:$0x3]  }
0x4: {  	s12 =	rddreg [dreg:$0x4]  }
0x5: {  	s4 =	simm.s32 $0x0;
	s2 =	srdreg.scid;
	s5 =	stileid.u32  }
0x6: {  	s14 =	simm.s32 $0x4400;
	s15 =	simm.s32 $0x4C00;
	s16 =	simm.s32 $0x5400  }
0x7: {  	s17 =	simm.s32 $0x5C00;
	s18 =	simm.s32 $0x6400;
	s28 =	simm.s32 $0x7C00  }
0x8: {  	s29 =	simm.s32 $0x8400;
	s30 =	simm.s32 $0x8C00;
	s31 =	simm.s32 $0x9400  }
0x9: {  	[smem:$0x7FF] =	sst s4;
	s2 =	sand.u32 $0x1, s2;
	s0 =	sadd.s32 $0xC00, s0  }
0xa: {  	s6 =	sshll.u32 s5, $0x1;
	s20 =	sshll.u32 s5, $0xA;
	s8 =	sadd.s32 $0x200, s1  }
0xb: {  	s9 =	sadd.s32 $0x300, s1;
	p0 =	sne.s32 s5, $0x0;
	s11 =	sor.u32 s2, s6  }
0xc: {  	s5 =	simm.s32 $0x0;
	_ =	strace $0x80000047;
	s10 =	sshll.u32 s11, $0xE  }
0xd: {  	[dreg:$0x6] =	wrdreg s0;
	s19 =	ssub.s32 $0x2, s2;
	s10 =	sadd.s32 s3, s10  }
0xe: {  	s13 =	sand.u32 $0x3000, s20;
	s3 =	sadd.s32 $0x800, s10;
	[dreg:$0x10] =	wrdreg s10  }
0xf: {  	s20 =	simm.s32 $0xE400;
	s21 =	sadd.s32 $0x1000, s10;
	[dreg:$0x7] =	wrdreg s3  }
0x10: {  	s7 =	sshrl.u32 s19, $0x1;
	s22 =	sadd.s32 $0x1800, s10;
	[dreg:$0x8] =	wrdreg s21  }
0x11: {  	s6 =	sshll.u32 s11, $0x7;
	s23 =	sadd.s32 $0x2000, s10;
	[dreg:$0x9] =	wrdreg s22  }
0x12: {  	p1 =	sne.s32 s11, $0x0;
	s24 =	sadd.s32 $0x2800, s10;
	[dreg:$0xa] =	wrdreg s23  }
0x13: {  	s0 =	ssub.s32 s19, s7;
	s25 =	sadd.s32 $0x3000, s10;
	[dreg:$0xb] =	wrdreg s24  }
0x14: {  	s6 =	sand.u32 $0x380, s6;
	s26 =	sadd.s32 $0x3800, s10;
	[dreg:$0xc] =	wrdreg s25  }
0x15: {  	s7 =	sadd.s32 $0x100, s1;
	s0 =	smax.u32 s0, $0x1;
	[dreg:$0xd] =	wrdreg s26  }
0x16: {  	v0 =	vlaneseq.u32;
	s19 =	simm.s32 $0x7;
	[dreg:$0xe] =	wrdreg s0;
	s0 =	sshrl.u32 @!p0 s12, $0x3  }
0x17: {  	vm0 =	vmmov $0xffff;
	v2 =	vand.u32 $0x7, v0;
	v3 =	vshrl.u32 v0, $0x3;
	s22 =	simm.s32 $0x1100;
	s26 =	simm.s32 $0x1;
	s24 =	simm.s32 $0x2  }
0x18: {  	v4 =	vor.u32 $0x8, v0;
	v3 =	vmul.u32 $0x8, v3;
	v1 =	vmov s13;
	s25 =	simm.s32 $0x8;
	s23 =	simm.s32 $0x12400;
	[dreg:$0xf] =	wrdreg s0  }
.LBB2_1:
0x19: {  	s12 =	rddreg [dreg:$0x6]  }
0x1a: {  	s11 =	simm.s32 @!p0 $0x1C0D;
	s13 =	rddreg [dreg:$0xf]  }
0x1b: {  	[spmem:s13], [sflag:s11] =	dma.local @!p0 [hbm:s12], $0x200  }
0x1c: {  	s11 =	simm.s32 @!p0 $0xD  }
0x1d: {  	_ =	swait.ge @!p0 [sflag:s11], $0x200  }
0x1e: {  	[sflag:s11] =	ssyncset.done @!p0 $0x0  }
0x1f: {  	[sflag:s11] =	ssyncadd.s32 @!p0 $0xFFFFFE00  }
0x20: {  	[bflag:$0x0] =	sbarrier.arrive $0xFFFF  }
0x21: {  	s21 =	simm.s32 $0x100;
	s10 =	simm.s32 $0xD;
	s13 =	rddreg [dreg:$0x4]  }
0x22: {  	[tilespmem:s21], [sflag:$0xD] =	stream.linear.gather [spmem:s13], $0x1000, $0x38;
	[tilespmem:$0x1A400] =	vst v63  }
0x23: {  	_ =	swait.ge [sflag:s10], $0x1000  }
0x24: {  	[sflag:s10] =	ssyncset.done $0x0  }
0x25: {  	s12 =	simm.s32 $0x0;
	s11 =	simm.s32 $0x120;
	[sflag:s10] =	ssyncadd.s32 $0xFFFFF000  }
.LBB2_2:
0x26: {  	v5 =	vld [tilespmem:s11+$0xFFFFFFE0];
	_ =	sdelay $0x6  }
0x27: {  	v6 =	vor.u32 s12, v0  }
0x28: {  	[tilespmem:v5+s22+$0x0] =	vst.idx.msk $0xffff, v6  }
0x29: {  	v5 =	vld [tilespmem:s11+$0xFFFFFFF0];
	_ =	sdelay $0x5  }
0x2a: {  	s13 =	sadd.s32 $0x10, s12  }
0x2b: {  	v6 =	vor.u32 s13, v0  }
0x2c: {  	[tilespmem:v5+s22+$0x0] =	vst.idx.msk $0xffff, v6  }
0x2d: {  	v5 =	vld [tilespmem:s11+$0x0];
	_ =	sdelay $0x5  }
0x2e: {  	s10 =	sadd.s32 $0x20, s12  }
0x2f: {  	v6 =	vor.u32 s10, v0  }
0x30: {  	[tilespmem:v5+s22+$0x0] =	vst.idx.msk $0xffff, v6  }
0x31: {  	v5 =	vld [tilespmem:s11+$0x10];
	_ =	sdelay $0x2  }
0x32: {  	p2 =	sne.s32 s12, $0xFC0  }
.Ltmp0:
0x33: {  	_ = 	snop;
	(pc) =	sbr.rel @p2 .LBB2_2-.Ltmp0, $4  }
0x34: {  	_ = 	snop  }
0x35: {  	s21 =	sadd.s32 $0x30, s12  }
0x36: {  	v6 =	vor.u32 s21, v0  }
0x37: {  	s12 =	sadd.s32 $0x40, s12;
	s11 =	sadd.s32 $0x40, s11;
	[tilespmem:v5+s22+$0x0] =	vst.idx.msk $0xffff, v6  }
0x38: {  	s11 =	simm.s32 @!p1 $0x0;
	s12 =	simm.s32 @!p1 $0x1100;
	s13 =	rddreg [dreg:$0x2]  }
0x39: {  	[hbm4b:s13+s11] =	stream.linear.scatter @!p1 [tilespmem:s12], [sflag:$0xD], $0x400, $0x38;
	[tilespmem:$0x1A400] =	vst v63  }
0x3a: {  	s11 =	simm.s32 @!p1 $0xD  }
0x3b: {  	_ =	swait.ge @!p1 [sflag:s11], $0x400  }
0x3c: {  	[sflag:s11] =	ssyncset.done @!p1 $0x0  }
0x3d: {  	[sflag:s11] =	ssyncadd.s32 @!p1 $0xFFFFFC00  }
0x3e: {  	v5 =	vld [tilespmem:s6+$0x1100];
	_ =	sdelay $0x4  }
0x3f: {  	v6 =	vadd.s32 v1, v5  }
0x40: {  	v7 =	vshll.u32 v6, $0x3  }
0x41: {  	v5 =	vand.u32 $0x7, v5;
	v7 =	vand.u32 $0xFFFFFFC0, v7  }
0x42: {  	v5 =	vor.u32 v5, v7  }
0x43: {  	v7 =	vperm.xlane v5, v2;
	_ =	sdelay $0x1  }
0x44: {  	v7 =	vadd.s32 v3, v7;
	_ =	sdelay $0x3  }
0x45: {  	s0 =	simm.s32 $0x2400;
	[tilespmem:$0x2100] =	vst v6  }
0x46: {  	[tilespmem:s0], [sflag:$0x1] =	stream.indirect_vreg.gather [hbm4b:s1+s4], $0x80, v7, vm0, $0xb8;
	[tilespmem:$0x1A400] =	vst v63  }
0x47: {  	s11 =	simm.s32 $0x2C00;
	v5 =	vperm.xlane v5, v4  }
0x48: {  	[tilespmem:s11], [sflag:$0x1] =	stream.indirect_vreg.gather [hbm4b:s7+s4], $0x80, v7, vm0, $0xb8;
	[tilespmem:$0x1A400] =	vst v63  }
0x49: {  	s12 =	simm.s32 $0x3400;
	v5 =	vadd.s32 v3, v5  }
0x4a: {  	[tilespmem:s12], [sflag:$0x1] =	stream.indirect_vreg.gather [hbm4b:s8+s4], $0x80, v7, vm0, $0xb8;
	[tilespmem:$0x1A400] =	vst v63  }
0x4b: {  	s13 =	simm.s32 $0x3C00  }
0x4c: {  	[tilespmem:s13], [sflag:$0x1] =	stream.indirect_vreg.gather [hbm4b:s9+s4], $0x80, v7, vm0, $0xb8;
	[tilespmem:$0x1A400] =	vst v63  }
0x4d: {  	_ = 	snop  }
0x4e: {  	[tilespmem:s14], [sflag:$0x1] =	stream.indirect_vreg.gather [hbm4b:s1+s4], $0x80, v5, vm0, $0xb8;
	[tilespmem:$0x1A400] =	vst v63  }
0x4f: {  	_ = 	snop  }
0x50: {  	[tilespmem:s15], [sflag:$0x1] =	stream.indirect_vreg.gather [hbm4b:s7+s4], $0x80, v5, vm0, $0xb8;
	[tilespmem:$0x1A400] =	vst v63  }
0x51: {  	_ = 	snop  }
0x52: {  	[tilespmem:s16], [sflag:$0x1] =	stream.indirect_vreg.gather [hbm4b:s8+s4], $0x80, v5, vm0, $0xb8;
	[tilespmem:$0x1A400] =	vst v63  }
0x53: {  	_ = 	snop  }
0x54: {  	[tilespmem:s17], [sflag:$0x1] =	stream.indirect_vreg.gather [hbm4b:s9+s4], $0x80, v5, vm0, $0xb8;
	[tilespmem:$0x1A400] =	vst v63  }
0x55: {  	v5 =	vld [tilespmem:s6+$0x1110];
	_ =	sdelay $0x4  }
0x56: {  	v6 =	vadd.s32 v1, v5  }
0x57: {  	v7 =	vshll.u32 v6, $0x3  }
0x58: {  	v5 =	vand.u32 $0x7, v5;
	v7 =	vand.u32 $0xFFFFFFC0, v7  }
0x59: {  	v5 =	vor.u32 v5, v7  }
0x5a: {  	v7 =	vperm.xlane v5, v2;
	_ =	sdelay $0x1  }
0x5b: {  	v7 =	vadd.s32 v3, v7;
	_ =	sdelay $0x3  }
0x5c: {  	[tilespmem:$0x2180] =	vst v6  }
0x5d: {  	[tilespmem:s18], [sflag:$0x2] =	stream.indirect_vreg.gather [hbm4b:s1+s4], $0x80, v7, vm0, $0xb8;
	[tilespmem:$0x1A400] =	vst v63  }
0x5e: {  	s10 =	simm.s32 $0x6C00;
	v5 =	vperm.xlane v5, v4  }
0x5f: {  	[tilespmem:s10], [sflag:$0x2] =	stream.indirect_vreg.gather [hbm4b:s7+s4], $0x80, v7, vm0, $0xb8;
	[tilespmem:$0x1A400] =	vst v63  }
0x60: {  	s2 =	simm.s32 $0x7400;
	v5 =	vadd.s32 v3, v5  }
0x61: {  	[tilespmem:s2], [sflag:$0x2] =	stream.indirect_vreg.gather [hbm4b:s8+s4], $0x80, v7, vm0, $0xb8;
	[tilespmem:$0x1A400] =	vst v63  }
0x62: {  	_ = 	snop  }
0x63: {  	[tilespmem:s28], [sflag:$0x2] =	stream.indirect_vreg.gather [hbm4b:s9+s4], $0x80, v7, vm0, $0xb8;
	[tilespmem:$0x1A400] =	vst v63  }
0x64: {  	_ = 	snop  }
0x65: {  	[tilespmem:s29], [sflag:$0x2] =	stream.indirect_vreg.gather [hbm4b:s1+s4], $0x80, v5, vm0, $0xb8;
	[tilespmem:$0x1A400] =	vst v63  }
0x66: {  	_ = 	snop  }
0x67: {  	[tilespmem:s30], [sflag:$0x2] =	stream.indirect_vreg.gather [hbm4b:s7+s4], $0x80, v5, vm0, $0xb8;
	[tilespmem:$0x1A400] =	vst v63  }
0x68: {  	_ = 	snop  }
0x69: {  	[tilespmem:s31], [sflag:$0x2] =	stream.indirect_vreg.gather [hbm4b:s8+s4], $0x80, v5, vm0, $0xb8;
	[tilespmem:$0x1A400] =	vst v63  }
0x6a: {  	s21 =	simm.s32 $0x9C00  }
0x6b: {  	[tilespmem:s21], [sflag:$0x2] =	stream.indirect_vreg.gather [hbm4b:s9+s4], $0x80, v5, vm0, $0xb8;
	[tilespmem:$0x1A400] =	vst v63  }
0x6c: {  	v5 =	vld [tilespmem:s6+$0x1120];
	_ =	sdelay $0x4  }
0x6d: {  	v6 =	vadd.s32 v1, v5  }
0x6e: {  	v7 =	vshll.u32 v6, $0x3  }
0x6f: {  	v5 =	vand.u32 $0x7, v5;
	v7 =	vand.u32 $0xFFFFFFC0, v7  }
0x70: {  	v5 =	vor.u32 v5, v7  }
0x71: {  	v7 =	vperm.xlane v5, v2;
	_ =	sdelay $0x1  }
0x72: {  	v7 =	vadd.s32 v3, v7;
	_ =	sdelay $0x3  }
0x73: {  	s3 =	simm.s32 $0xA400;
	[tilespmem:$0x2200] =	vst v6  }
0x74: {  	[tilespmem:s3], [sflag:$0x3] =	stream.indirect_vreg.gather [hbm4b:s1+s4], $0x80, v7, vm0, $0xb8;
	[tilespmem:$0x1A400] =	vst v63  }
0x75: {  	s21 =	simm.s32 $0xAC00;
	v5 =	vperm.xlane v5, v4  }
0x76: {  	[tilespmem:s21], [sflag:$0x3] =	stream.indirect_vreg.gather [hbm4b:s7+s4], $0x80, v7, vm0, $0xb8;
	[tilespmem:$0x1A400] =	vst v63  }
0x77: {  	s2 =	simm.s32 $0xB400;
	v5 =	vadd.s32 v3, v5  }
0x78: {  	[tilespmem:s2], [sflag:$0x3] =	stream.indirect_vreg.gather [hbm4b:s8+s4], $0x80, v7, vm0, $0xb8;
	[tilespmem:$0x1A400] =	vst v63  }
0x79: {  	s2 =	simm.s32 $0xBC00  }
0x7a: {  	[tilespmem:s2], [sflag:$0x3] =	stream.indirect_vreg.gather [hbm4b:s9+s4], $0x80, v7, vm0, $0xb8;
	[tilespmem:$0x1A400] =	vst v63  }
0x7b: {  	s2 =	simm.s32 $0xC400  }
0x7c: {  	[tilespmem:s2], [sflag:$0x3] =	stream.indirect_vreg.gather [hbm4b:s1+s4], $0x80, v5, vm0, $0xb8;
	[tilespmem:$0x1A400] =	vst v63  }
0x7d: {  	s2 =	simm.s32 $0xCC00  }
0x7e: {  	[tilespmem:s2], [sflag:$0x3] =	stream.indirect_vreg.gather [hbm4b:s7+s4], $0x80, v5, vm0, $0xb8;
	[tilespmem:$0x1A400] =	vst v63  }
0x7f: {  	s2 =	simm.s32 $0xD400  }
0x80: {  	[tilespmem:s2], [sflag:$0x3] =	stream.indirect_vreg.gather [hbm4b:s8+s4], $0x80, v5, vm0, $0xb8;
	[tilespmem:$0x1A400] =	vst v63  }
0x81: {  	s2 =	simm.s32 $0xDC00  }
0x82: {  	[tilespmem:s2], [sflag:$0x3] =	stream.indirect_vreg.gather [hbm4b:s9+s4], $0x80, v5, vm0, $0xb8;
	[tilespmem:$0x1A400] =	vst v63  }
0x83: {  	v5 =	vld [tilespmem:s6+$0x1130];
	_ =	sdelay $0x4  }
0x84: {  	v6 =	vadd.s32 v1, v5  }
0x85: {  	v7 =	vshll.u32 v6, $0x3  }
0x86: {  	v5 =	vand.u32 $0x7, v5;
	v7 =	vand.u32 $0xFFFFFFC0, v7  }
0x87: {  	v5 =	vor.u32 v5, v7  }
0x88: {  	v7 =	vperm.xlane v5, v2;
	_ =	sdelay $0x1  }
0x89: {  	v7 =	vadd.s32 v3, v7;
	_ =	sdelay $0x3  }
0x8a: {  	[tilespmem:$0x2280] =	vst v6  }
0x8b: {  	[tilespmem:s20], [sflag:$0x4] =	stream.indirect_vreg.gather [hbm4b:s1+s4], $0x80, v7, vm0, $0xb8;
	[tilespmem:$0x1A400] =	vst v63  }
0x8c: {  	s2 =	simm.s32 $0xEC00;
	v5 =	vperm.xlane v5, v4  }
0x8d: {  	[tilespmem:s2], [sflag:$0x4] =	stream.indirect_vreg.gather [hbm4b:s7+s4], $0x80, v7, vm0, $0xb8;
	[tilespmem:$0x1A400] =	vst v63  }
0x8e: {  	v5 =	vadd.s32 v3, v5;
	s2 =	simm.s32 $0xF400  }
0x8f: {  	[tilespmem:s2], [sflag:$0x4] =	stream.indirect_vreg.gather [hbm4b:s8+s4], $0x80, v7, vm0, $0xb8;
	[tilespmem:$0x1A400] =	vst v63  }
0x90: {  	s2 =	simm.s32 $0xFC00  }
0x91: {  	[tilespmem:s2], [sflag:$0x4] =	stream.indirect_vreg.gather [hbm4b:s9+s4], $0x80, v7, vm0, $0xb8;
	[tilespmem:$0x1A400] =	vst v63  }
0x92: {  	s2 =	simm.s32 $0x10400  }
0x93: {  	[tilespmem:s2], [sflag:$0x4] =	stream.indirect_vreg.gather [hbm4b:s1+s4], $0x80, v5, vm0, $0xb8;
	[tilespmem:$0x1A400] =	vst v63  }
0x94: {  	s2 =	simm.s32 $0x10C00  }
0x95: {  	[tilespmem:s2], [sflag:$0x4] =	stream.indirect_vreg.gather [hbm4b:s7+s4], $0x80, v5, vm0, $0xb8;
	[tilespmem:$0x1A400] =	vst v63  }
0x96: {  	s2 =	simm.s32 $0x11400  }
0x97: {  	[tilespmem:s2], [sflag:$0x4] =	stream.indirect_vreg.gather [hbm4b:s8+s4], $0x80, v5, vm0, $0xb8;
	[tilespmem:$0x1A400] =	vst v63  }
0x98: {  	s2 =	simm.s32 $0x11C00  }
0x99: {  	[tilespmem:s2], [sflag:$0x4] =	stream.indirect_vreg.gather [hbm4b:s9+s4], $0x80, v5, vm0, $0xb8;
	[tilespmem:$0x1A400] =	vst v63  }
0x9a: {  	v5 =	vld [tilespmem:s6+$0x1140];
	_ =	sdelay $0x4  }
0x9b: {  	v6 =	vadd.s32 v1, v5  }
0x9c: {  	v7 =	vshll.u32 v6, $0x3  }
0x9d: {  	v5 =	vand.u32 $0x7, v5;
	v7 =	vand.u32 $0xFFFFFFC0, v7  }
0x9e: {  	v5 =	vor.u32 v5, v7  }
0x9f: {  	v7 =	vperm.xlane v5, v2;
	_ =	sdelay $0x1  }
0xa0: {  	v7 =	vadd.s32 v3, v7;
	_ =	sdelay $0x3  }
0xa1: {  	[tilespmem:$0x2300] =	vst v6  }
0xa2: {  	[tilespmem:s23], [sflag:$0x5] =	stream.indirect_vreg.gather [hbm4b:s1+s4], $0x80, v7, vm0, $0xb8;
	[tilespmem:$0x1A400] =	vst v63  }
0xa3: {  	s2 =	simm.s32 $0x12C00;
	v5 =	vperm.xlane v5, v4  }
0xa4: {  	[tilespmem:s2], [sflag:$0x5] =	stream.indirect_vreg.gather [hbm4b:s7+s4], $0x80, v7, vm0, $0xb8;
	[tilespmem:$0x1A400] =	vst v63  }
0xa5: {  	v5 =	vadd.s32 v3, v5;
	s2 =	simm.s32 $0x13400  }
0xa6: {  	[tilespmem:s2], [sflag:$0x5] =	stream.indirect_vreg.gather [hbm4b:s8+s4], $0x80, v7, vm0, $0xb8;
	[tilespmem:$0x1A400] =	vst v63  }
0xa7: {  	s2 =	simm.s32 $0x13C00  }
0xa8: {  	[tilespmem:s2], [sflag:$0x5] =	stream.indirect_vreg.gather [hbm4b:s9+s4], $0x80, v7, vm0, $0xb8;
	[tilespmem:$0x1A400] =	vst v63  }
0xa9: {  	s2 =	simm.s32 $0x14400  }
0xaa: {  	[tilespmem:s2], [sflag:$0x5] =	stream.indirect_vreg.gather [hbm4b:s1+s4], $0x80, v5, vm0, $0xb8;
	[tilespmem:$0x1A400] =	vst v63  }
0xab: {  	s2 =	simm.s32 $0x14C00  }
0xac: {  	[tilespmem:s2], [sflag:$0x5] =	stream.indirect_vreg.gather [hbm4b:s7+s4], $0x80, v5, vm0, $0xb8;
	[tilespmem:$0x1A400] =	vst v63  }
0xad: {  	s2 =	simm.s32 $0x15400  }
0xae: {  	[tilespmem:s2], [sflag:$0x5] =	stream.indirect_vreg.gather [hbm4b:s8+s4], $0x80, v5, vm0, $0xb8;
	[tilespmem:$0x1A400] =	vst v63  }
0xaf: {  	s2 =	simm.s32 $0x15C00  }
0xb0: {  	[tilespmem:s2], [sflag:$0x5] =	stream.indirect_vreg.gather [hbm4b:s9+s4], $0x80, v5, vm0, $0xb8;
	[tilespmem:$0x1A400] =	vst v63  }
0xb1: {  	v5 =	vld [tilespmem:s6+$0x1150];
	_ =	sdelay $0x4  }
0xb2: {  	v6 =	vadd.s32 v1, v5  }
0xb3: {  	v7 =	vshll.u32 v6, $0x3  }
0xb4: {  	v5 =	vand.u32 $0x7, v5;
	v7 =	vand.u32 $0xFFFFFFC0, v7  }
0xb5: {  	v5 =	vor.u32 v5, v7  }
0xb6: {  	v7 =	vperm.xlane v5, v2;
	_ =	sdelay $0x1  }
0xb7: {  	v7 =	vadd.s32 v3, v7;
	_ =	sdelay $0x3  }
0xb8: {  	s2 =	simm.s32 $0x16400;
	[tilespmem:$0x2380] =	vst v6  }
0xb9: {  	[tilespmem:s2], [sflag:$0x6] =	stream.indirect_vreg.gather [hbm4b:s1+s4], $0x80, v7, vm0, $0xb8;
	[tilespmem:$0x1A400] =	vst v63  }
0xba: {  	s21 =	simm.s32 $0x16C00;
	v5 =	vperm.xlane v5, v4  }
0xbb: {  	[tilespmem:s21], [sflag:$0x6] =	stream.indirect_vreg.gather [hbm4b:s7+s4], $0x80, v7, vm0, $0xb8;
	[tilespmem:$0x1A400] =	vst v63  }
0xbc: {  	v5 =	vadd.s32 v3, v5;
	s21 =	simm.s32 $0x17400  }
0xbd: {  	[tilespmem:s21], [sflag:$0x6] =	stream.indirect_vreg.gather [hbm4b:s8+s4], $0x80, v7, vm0, $0xb8;
	[tilespmem:$0x1A400] =	vst v63  }
0xbe: {  	s21 =	simm.s32 $0x17C00  }
0xbf: {  	[tilespmem:s21], [sflag:$0x6] =	stream.indirect_vreg.gather [hbm4b:s9+s4], $0x80, v7, vm0, $0xb8;
	[tilespmem:$0x1A400] =	vst v63  }
0xc0: {  	s21 =	simm.s32 $0x18400  }
0xc1: {  	[tilespmem:s21], [sflag:$0x6] =	stream.indirect_vreg.gather [hbm4b:s1+s4], $0x80, v5, vm0, $0xb8;
	[tilespmem:$0x1A400] =	vst v63  }
0xc2: {  	s21 =	simm.s32 $0x18C00  }
0xc3: {  	[tilespmem:s21], [sflag:$0x6] =	stream.indirect_vreg.gather [hbm4b:s7+s4], $0x80, v5, vm0, $0xb8;
	[tilespmem:$0x1A400] =	vst v63  }
0xc4: {  	s21 =	simm.s32 $0x19400  }
0xc5: {  	[tilespmem:s21], [sflag:$0x6] =	stream.indirect_vreg.gather [hbm4b:s8+s4], $0x80, v5, vm0, $0xb8;
	[tilespmem:$0x1A400] =	vst v63  }
0xc6: {  	s21 =	simm.s32 $0x19C00  }
0xc7: {  	[tilespmem:s21], [sflag:$0x6] =	stream.indirect_vreg.gather [hbm4b:s9+s4], $0x80, v5, vm0, $0xb8;
	[tilespmem:$0x1A400] =	vst v63  }
0xc8: {  	_ =	swait.ge [sflag:s26], $0x4000  }
0xc9: {  	[sflag:s26] =	ssyncset.done $0x0  }
0xca: {  	s21 =	rddreg [dreg:$0x10];
	[sflag:s26] =	ssyncadd.s32 $0xFFFFC000  }
0xcb: {  	[hbm4b:s21+s4] =	stream.linear.scatter [tilespmem:s0], [sflag:$0x7], $0x4000, $0x38;
	[tilespmem:$0x1A400] =	vst v63  }
0xcc: {  	_ =	swait.ge [sflag:s19], $0x4000  }
0xcd: {  	[sflag:s19] =	ssyncset.done $0x0  }
0xce: {  	[sflag:s19] =	ssyncadd.s32 $0xFFFFC000  }
0xcf: {  	v5 =	vld [tilespmem:s6+$0x1160];
	_ =	sdelay $0x4  }
0xd0: {  	v6 =	vadd.s32 v1, v5  }
0xd1: {  	v7 =	vshll.u32 v6, $0x3  }
0xd2: {  	v5 =	vand.u32 $0x7, v5;
	v7 =	vand.u32 $0xFFFFFFC0, v7  }
0xd3: {  	v5 =	vor.u32 v5, v7  }
0xd4: {  	v7 =	vperm.xlane v5, v2;
	_ =	sdelay $0x1  }
0xd5: {  	v7 =	vadd.s32 v3, v7;
	_ =	sdelay $0x3  }
0xd6: {  	[tilespmem:$0x2100] =	vst v6  }
0xd7: {  	[tilespmem:s0], [sflag:$0x1] =	stream.indirect_vreg.gather [hbm4b:s1+s4], $0x80, v7, vm0, $0xb8;
	[tilespmem:$0x1A400] =	vst v63  }
0xd8: {  	v5 =	vperm.xlane v5, v4  }
0xd9: {  	[tilespmem:s11], [sflag:$0x1] =	stream.indirect_vreg.gather [hbm4b:s7+s4], $0x80, v7, vm0, $0xb8;
	[tilespmem:$0x1A400] =	vst v63  }
0xda: {  	v5 =	vadd.s32 v3, v5  }
0xdb: {  	[tilespmem:s12], [sflag:$0x1] =	stream.indirect_vreg.gather [hbm4b:s8+s4], $0x80, v7, vm0, $0xb8;
	[tilespmem:$0x1A400] =	vst v63  }
0xdc: {  	_ = 	snop  }
0xdd: {  	[tilespmem:s13], [sflag:$0x1] =	stream.indirect_vreg.gather [hbm4b:s9+s4], $0x80, v7, vm0, $0xb8;
	[tilespmem:$0x1A400] =	vst v63  }
0xde: {  	_ = 	snop  }
0xdf: {  	[tilespmem:s14], [sflag:$0x1] =	stream.indirect_vreg.gather [hbm4b:s1+s4], $0x80, v5, vm0, $0xb8;
	[tilespmem:$0x1A400] =	vst v63  }
0xe0: {  	_ = 	snop  }
0xe1: {  	[tilespmem:s15], [sflag:$0x1] =	stream.indirect_vreg.gather [hbm4b:s7+s4], $0x80, v5, vm0, $0xb8;
	[tilespmem:$0x1A400] =	vst v63  }
0xe2: {  	_ = 	snop  }
0xe3: {  	[tilespmem:s16], [sflag:$0x1] =	stream.indirect_vreg.gather [hbm4b:s8+s4], $0x80, v5, vm0, $0xb8;
	[tilespmem:$0x1A400] =	vst v63  }
0xe4: {  	_ = 	snop  }
0xe5: {  	[tilespmem:s17], [sflag:$0x1] =	stream.indirect_vreg.gather [hbm4b:s9+s4], $0x80, v5, vm0, $0xb8;
	[tilespmem:$0x1A400] =	vst v63  }
0xe6: {  	_ =	swait.ge [sflag:s24], $0x4000  }
0xe7: {  	[sflag:s24] =	ssyncset.done $0x0  }
0xe8: {  	s13 =	rddreg [dreg:$0x7];
	[sflag:s24] =	ssyncadd.s32 $0xFFFFC000  }
0xe9: {  	[hbm4b:s13+s4] =	stream.linear.scatter [tilespmem:s18], [sflag:$0x8], $0x4000, $0x38;
	[tilespmem:$0x1A400] =	vst v63  }
0xea: {  	_ =	swait.ge [sflag:s25], $0x4000  }
0xeb: {  	[sflag:s25] =	ssyncset.done $0x0  }
0xec: {  	[sflag:s25] =	ssyncadd.s32 $0xFFFFC000  }
0xed: {  	v5 =	vld [tilespmem:s6+$0x1170];
	_ =	sdelay $0x4  }
0xee: {  	v6 =	vadd.s32 v1, v5  }
0xef: {  	v7 =	vshll.u32 v6, $0x3  }
0xf0: {  	v5 =	vand.u32 $0x7, v5;
	v7 =	vand.u32 $0xFFFFFFC0, v7  }
0xf1: {  	v5 =	vor.u32 v5, v7  }
0xf2: {  	v7 =	vperm.xlane v5, v2;
	_ =	sdelay $0x1  }
0xf3: {  	v7 =	vadd.s32 v3, v7;
	_ =	sdelay $0x3  }
0xf4: {  	[tilespmem:$0x2180] =	vst v6  }
0xf5: {  	[tilespmem:s18], [sflag:$0x2] =	stream.indirect_vreg.gather [hbm4b:s1+s4], $0x80, v7, vm0, $0xb8;
	[tilespmem:$0x1A400] =	vst v63  }
0xf6: {  	v5 =	vperm.xlane v5, v4  }
0xf7: {  	[tilespmem:s10], [sflag:$0x2] =	stream.indirect_vreg.gather [hbm4b:s7+s4], $0x80, v7, vm0, $0xb8;
	[tilespmem:$0x1A400] =	vst v63  }
0xf8: {  	s21 =	simm.s32 $0x7400;
	v5 =	vadd.s32 v3, v5  }
0xf9: {  	[tilespmem:s21], [sflag:$0x2] =	stream.indirect_vreg.gather [hbm4b:s8+s4], $0x80, v7, vm0, $0xb8;
	[tilespmem:$0x1A400] =	vst v63  }
0xfa: {  	_ = 	snop  }
0xfb: {  	[tilespmem:s28], [sflag:$0x2] =	stream.indirect_vreg.gather [hbm4b:s9+s4], $0x80, v7, vm0, $0xb8;
	[tilespmem:$0x1A400] =	vst v63  }
0xfc: {  	_ = 	snop  }
0xfd: {  	[tilespmem:s29], [sflag:$0x2] =	stream.indirect_vreg.gather [hbm4b:s1+s4], $0x80, v5, vm0, $0xb8;
	[tilespmem:$0x1A400] =	vst v63  }
0xfe: {  	_ = 	snop  }
0xff: {  	[tilespmem:s30], [sflag:$0x2] =	stream.indirect_vreg.gather [hbm4b:s7+s4], $0x80, v5, vm0, $0xb8;
	[tilespmem:$0x1A400] =	vst v63  }
0x100: {  	_ = 	snop  }
0x101: {  	[tilespmem:s31], [sflag:$0x2] =	stream.indirect_vreg.gather [hbm4b:s8+s4], $0x80, v5, vm0, $0xb8;
	[tilespmem:$0x1A400] =	vst v63  }
0x102: {  	s11 =	simm.s32 $0x9C00;
	s12 =	simm.s32 $0x3  }
0x103: {  	[tilespmem:s11], [sflag:$0x2] =	stream.indirect_vreg.gather [hbm4b:s9+s4], $0x80, v5, vm0, $0xb8;
	[tilespmem:$0x1A400] =	vst v63  }
0x104: {  	_ =	swait.ge [sflag:s12], $0x4000  }
0x105: {  	[sflag:s12] =	ssyncset.done $0x0  }
0x106: {  	s21 =	simm.s32 $0x4;
	s13 =	rddreg [dreg:$0x8];
	[sflag:s12] =	ssyncadd.s32 $0xFFFFC000  }
0x107: {  	[hbm4b:s13+s4] =	stream.linear.scatter [tilespmem:s3], [sflag:$0x9], $0x4000, $0x38;
	[tilespmem:$0x1A400] =	vst v63  }
0x108: {  	_ =	swait.ge [sflag:s21], $0x4000  }
0x109: {  	[sflag:s21] =	ssyncset.done $0x0  }
0x10a: {  	s11 =	simm.s32 $0x5;
	s10 =	rddreg [dreg:$0x9];
	[sflag:s21] =	ssyncadd.s32 $0xFFFFC000  }
0x10b: {  	[hbm4b:s10+s4] =	stream.linear.scatter [tilespmem:s20], [sflag:$0xA], $0x4000, $0x38;
	[tilespmem:$0x1A400] =	vst v63  }
0x10c: {  	_ =	swait.ge [sflag:s11], $0x4000  }
0x10d: {  	[sflag:s11] =	ssyncset.done $0x0  }
0x10e: {  	s13 =	simm.s32 $0x6;
	s12 =	rddreg [dreg:$0xa];
	[sflag:s11] =	ssyncadd.s32 $0xFFFFC000  }
0x10f: {  	[hbm4b:s12+s4] =	stream.linear.scatter [tilespmem:s23], [sflag:$0xB], $0x4000, $0x38;
	[tilespmem:$0x1A400] =	vst v63  }
0x110: {  	_ =	swait.ge [sflag:s13], $0x4000  }
0x111: {  	[sflag:s13] =	ssyncset.done $0x0  }
0x112: {  	s21 =	rddreg [dreg:$0xb];
	[sflag:s13] =	ssyncadd.s32 $0xFFFFC000  }
0x113: {  	[hbm4b:s21+s4] =	stream.linear.scatter [tilespmem:s2], [sflag:$0xC], $0x4000, $0x38;
	[tilespmem:$0x1A400] =	vst v63  }
0x114: {  	_ =	swait.ge [sflag:s26], $0x4000  }
0x115: {  	[sflag:s26] =	ssyncset.done $0x0  }
0x116: {  	s2 =	rddreg [dreg:$0xc];
	[sflag:s26] =	ssyncadd.s32 $0xFFFFC000  }
0x117: {  	[hbm4b:s2+s4] =	stream.linear.scatter [tilespmem:s0], [sflag:$0x7], $0x4000, $0x38;
	[tilespmem:$0x1A400] =	vst v63  }
0x118: {  	_ =	swait.ge [sflag:s24], $0x4000  }
0x119: {  	[sflag:s24] =	ssyncset.done $0x0  }
0x11a: {  	s3 =	rddreg [dreg:$0xd];
	[sflag:s24] =	ssyncadd.s32 $0xFFFFC000  }
0x11b: {  	[hbm4b:s3+s4] =	stream.linear.scatter [tilespmem:s18], [sflag:$0x8], $0x4000, $0x38;
	[tilespmem:$0x1A400] =	vst v63  }
0x11c: {  	_ =	swait.ge [sflag:s19], $0x4000  }
0x11d: {  	[sflag:s19] =	ssyncset.done $0x0  }
0x11e: {  	[sflag:s19] =	ssyncadd.s32 $0xFFFFC000  }
0x11f: {  	_ =	swait.ge [sflag:s25], $0x4000  }
0x120: {  	[sflag:s25] =	ssyncset.done $0x0  }
0x121: {  	s10 =	simm.s32 $0x9;
	[sflag:s25] =	ssyncadd.s32 $0xFFFFC000  }
0x122: {  	_ =	swait.ge [sflag:s10], $0x4000  }
0x123: {  	[sflag:s10] =	ssyncset.done $0x0  }
0x124: {  	s11 =	simm.s32 $0xA;
	[sflag:s10] =	ssyncadd.s32 $0xFFFFC000  }
0x125: {  	_ =	swait.ge [sflag:s11], $0x4000  }
0x126: {  	[sflag:s11] =	ssyncset.done $0x0  }
0x127: {  	s12 =	simm.s32 $0xB;
	[sflag:s11] =	ssyncadd.s32 $0xFFFFC000  }
0x128: {  	_ =	swait.ge [sflag:s12], $0x4000  }
0x129: {  	[sflag:s12] =	ssyncset.done $0x0  }
0x12a: {  	s13 =	simm.s32 $0xC;
	[sflag:s12] =	ssyncadd.s32 $0xFFFFC000  }
0x12b: {  	_ =	swait.ge [sflag:s13], $0x4000  }
0x12c: {  	s5 =	sadd.s32 $0x1, s5;
	s21 =	rddreg [dreg:$0xe]  }
0x12d: {  	p2 =	sne.s32 s5, s21  }
.Ltmp1:
0x12e: {  	_ = 	snop;
	(pc) =	sbr.rel @p2 .LBB2_1-.Ltmp1, $3  }
0x12f: {  	_ =	sdelay $0x1  }
0x130: {  	[sflag:s13] =	ssyncset.done $0x0  }
0x131: {  	[sflag:s13] =	ssyncadd.s32 $0xFFFFC000  }
0x132: {  	_ =	sfence.sel $0x180000  }
0x133: {  	[bflag:$0x0] =	sbarrier.arrive $0xFFFF  }
0x134: {  	_ =	strace $0x90000047  }
0x135: {  	[bflag:$0x2] =	sbarrier.arrive $0xFFFF  }
0x136: {  	s0 =	rddreg [dreg:$0x5]  }
0x137: {  	s0 =	sadd.s32 @!p0 $0x100000, s0  }
0x138: {  	[sflag:s0] =	ssyncadd.tile.s32 @!p0 $0x1;
	_ =	shalt  }
.Lfunc_end2:
_tile_overlayer_lowered:
.L_overlay_start_2:
0x139: {  	(tag) =	ssettag $0x2  }
0x13a: {  	s0 =	rddreg [dreg:$0x0];
	s2 =	stileid.u32  }
0x13b: {  	s1 =	rddreg [dreg:$0x1];
	p0 =	sne.s32 s2, $0x0  }
0x13c: {  	s3 =	rddreg [dreg:$0x2];
	[bflag:$0x3] =	sbarrier.arrive $0xFFFF;
	s2 =	simm.s32 @!p0 $0x1C0D  }
0x13d: {  	[timem:s3], [sflag:s2] =	dma.local @!p0 [hbm:s0], s1  }
0x13e: {  	s0 =	simm.s32 @!p0 $0xD  }
0x13f: {  	_ =	swait.ge @!p0 [sflag:s0], s1  }
0x140: {  	s1 =	ssub.s32 @!p0 $0x0, s1;
	[sflag:s0] =	ssyncset.done @!p0 $0x0  }
0x141: {  	[sflag:s0] =	ssyncadd.s32 @!p0 s1  }
0x142: {  	[bflag:$0x3] =	sbarrier.arrive $0xFFFF  }
0x143: {  	_ =	shalt  }

</sc_bundles>
